<compile_context>
chip_gen: v7x
topology: tpu7x:2x2x1
jax: 0.10.2.dev20260603
libtpu: 0.0.44.dev20260713+nightly
codegen_flags: <defaults>
</compile_context>

<pallas_src>
import functools
import math

import jax
import jax.numpy as jnp
from jax import lax
from jax.experimental import pallas as pl
from jax.experimental.pallas import tpu as pltpu
from jax.experimental.pallas import tpu_sc as plsc

D_MODEL = 64
SCALE = math.sqrt(D_MODEL)

_NUM_CORES = 2
_NUM_SUBCORES = 16
_NW = _NUM_CORES * _NUM_SUBCORES

_SUB = 128
_L = 16
_NBUF = 2


@functools.partial(jax.jit, static_argnames=("n",))
def _embed(table, idx, *, n):
    npw = n // _NW
    nsub = npw // _SUB

    mesh = plsc.VectorSubcoreMesh(core_axis_name="c", subcore_axis_name="s")

    @functools.partial(
        pl.kernel,
        out_type=jax.ShapeDtypeStruct((n, D_MODEL), jnp.float32),
        mesh=mesh,
        compiler_params=pltpu.CompilerParams(use_tc_tiling_on_sc=False),
        scratch_types=[
            pltpu.VMEM((npw,), jnp.int32),
            pltpu.VMEM((_SUB, D_MODEL), jnp.float32),
            pltpu.VMEM((_SUB, D_MODEL), jnp.float32),
            pltpu.VMEM((_SUB, D_MODEL), jnp.float32),
            pltpu.VMEM((_SUB, D_MODEL), jnp.float32),
            pltpu.SemaphoreType.DMA,
            pltpu.SemaphoreType.DMA,
            pltpu.SemaphoreType.DMA,
            pltpu.SemaphoreType.DMA,
        ],
    )
    def emb(table_hbm, idx_hbm, out_hbm, idx_v,
            gb0, gb1, ob0, ob1, gs0, gs1, ss0, ss1):
        worker = lax.axis_index("s") * _NUM_CORES + lax.axis_index("c")
        base = worker * npw
        pltpu.sync_copy(idx_hbm.at[pl.ds(base, npw)], idx_v)

        gbuf = (gb0, gb1)
        obuf = (ob0, ob1)
        gsem = (gs0, gs1)
        ssem = (ss0, ss1)

        def start_gather(g, b):
            pltpu.async_copy(
                table_hbm.at[idx_v.at[pl.ds(g * _SUB, _SUB)]],
                gbuf[b], gsem[b])

        def wait_gather(b):
            pltpu.make_async_copy(
                table_hbm.at[idx_v.at[pl.ds(0, _SUB)]],
                gbuf[b], gsem[b]).wait()

        def scale(b):
            gb = gbuf[b]
            ob = obuf[b]

            @plsc.parallel_loop(0, _SUB, unroll=2)
            def _row(r):
                for j in range(D_MODEL // _L):
                    ob[r, pl.ds(j * _L, _L)] = gb[r, pl.ds(j * _L, _L)] * SCALE

        def start_scatter(g, b):
            pltpu.async_copy(
                obuf[b],
                out_hbm.at[pl.ds(base + g * _SUB, _SUB)],
                ssem[b])

        def wait_scatter(b):
            pltpu.make_async_copy(
                obuf[b], out_hbm.at[pl.ds(0, _SUB)], ssem[b]).wait()

        for b in range(_NBUF):
            start_gather(b, b)

        for g in range(_NBUF):
            b = g
            wait_gather(b)
            scale(b)
            start_scatter(g, b)
            start_gather(g + _NBUF, b)

        @pl.loop(_NBUF, nsub - _NBUF, step=_NBUF)
        def _main(gg):
            for b in range(_NBUF):
                g = gg + b
                wait_gather(b)
                wait_scatter(b)
                scale(b)
                start_scatter(g, b)
                start_gather(g + _NBUF, b)

        for k in range(_NBUF):
            g = nsub - _NBUF + k
            b = g % _NBUF
            wait_gather(b)
            wait_scatter(b)
            scale(b)
            start_scatter(g, b)

        for b in range(_NBUF):
            wait_scatter(b)

    return emb(table, idx)


def kernel(x, table):
    n = x.size
    idx = x.reshape(n).astype(jnp.int32)
    out = _embed(table, idx, n=n)
    return out.reshape(x.shape + (D_MODEL,))

# --- scband reference (transcript-rebuilt; emitter-appended) ---
"""Pipeline reference for scband-input-embedding-69449621176754 (READ-ONLY COPY).

The authoritative reference and input builder live on the scoring server;
editing this copy changes nothing except your own understanding.
"""

import jax, jax.numpy as jnp
import numpy as np
import math

VOCAB = 1000000
D_MODEL = 64
BATCH = 4096
SEQ = 50

def setup_inputs(seed: int = 0) -> dict:
    key = jax.random.key(seed)
    k1, k2 = jax.random.split(key)
    x = jax.random.randint(k1, (BATCH, SEQ), 0, VOCAB, dtype=jnp.int64 if jax.config.jax_enable_x64 else jnp.int32)
    # embedding table parameter, N(0,1) like nn.Embedding default
    table = jax.random.normal(k2, (VOCAB, D_MODEL), dtype=jnp.float32)
    return {"x": x, "table": table}

def reference(x, table):
    # InputEmbedding.forward: embedding(x) * sqrt(d_model)
    emb = jnp.take(table, x, axis=0)
    return emb * math.sqrt(D_MODEL)

if __name__ == "__main__":
    import jax
    _d = setup_inputs()
    print(jax.jit(kernel)(*tuple(_d.values())))

</pallas_src>

<mosaic_0001>
#map = affine_map<(d0, d1) -> (0, 0)>
#map1 = affine_map<(d0, d1) -> (0)>
module attributes {stable_mosaic.version = 14 : i64} {
  func.func @emb(%arg0: i32, %arg1: i32, %arg2: memref<1000000x64xf32, #tpu.memory_space<hbm>>, %arg3: memref<204800xi32, #tpu.memory_space<hbm>>, %arg4: memref<204800x64xf32, #tpu.memory_space<hbm>>, %arg5: memref<6400xi32, #tpu.memory_space<vmem>>, %arg6: memref<128x64xf32, #tpu.memory_space<vmem>>, %arg7: memref<128x64xf32, #tpu.memory_space<vmem>>, %arg8: memref<128x64xf32, #tpu.memory_space<vmem>>, %arg9: memref<128x64xf32, #tpu.memory_space<vmem>>, %arg10: memref<!tpu.dma_semaphore, #tpu.memory_space<semaphore_mem>>, %arg11: memref<!tpu.dma_semaphore, #tpu.memory_space<semaphore_mem>>, %arg12: memref<!tpu.dma_semaphore, #tpu.memory_space<semaphore_mem>>, %arg13: memref<!tpu.dma_semaphore, #tpu.memory_space<semaphore_mem>>) attributes {dimension_semantics = [#tpu.dimension_semantics<core_parallel>, #tpu.dimension_semantics<subcore_parallel>], iteration_bounds = array<i64: 2, 16>, scalar_prefetch = 0 : i64, scratch_operands = 9 : i64, tpu.core_type = #tpu.core_type<sc_vector_subcore>, window_params = [{transform_indices = #map}, {transform_indices = #map1}, {transform_indices = #map}]} {
    %mul3A = arith.constant 2 : i32
    %mul3A_0 = arith.muli %arg1, %mul3A : i32
    %add3A = arith.addi %mul3A_0, %arg0 : i32
    %mul3A_1 = arith.constant 6400 : i32
    %mul3A_2 = arith.muli %add3A, %mul3A_1 : i32
    "tpu.region"() ({
      %run_scoped3A = tpu.sem_alloc : memref<!tpu.dma_semaphore, #tpu.memory_space<semaphore_mem>>
      %dma_start3A_104 = tpu.memref_slice %arg3[%mul3A_2] : memref<204800xi32, #tpu.memory_space<hbm>> -> memref<6400xi32, #tpu.memory_space<hbm>>
      %dma_start3A_105 = tpu.memref_slice %arg3[%mul3A_2] : memref<204800xi32, #tpu.memory_space<hbm>> -> memref<6400xi32, #tpu.memory_space<hbm>>
      tpu.enqueue_dma source(%dma_start3A_105 : memref<6400xi32, #tpu.memory_space<hbm>>) target(%arg5 : memref<6400xi32, #tpu.memory_space<vmem>>) target_semaphore(%run_scoped3A : memref<!tpu.dma_semaphore, #tpu.memory_space<semaphore_mem>>)
      %dma_wait3A_106 = tpu.memref_slice %arg3[%mul3A_2] : memref<204800xi32, #tpu.memory_space<hbm>> -> memref<6400xi32, #tpu.memory_space<hbm>>
      %dma_wait3A_107 = tpu.memref_slice %arg3[%mul3A_2] : memref<204800xi32, #tpu.memory_space<hbm>> -> memref<6400xi32, #tpu.memory_space<hbm>>
      tpu.wait_dma2 semaphore(%run_scoped3A : memref<!tpu.dma_semaphore, #tpu.memory_space<semaphore_mem>>) src(%dma_wait3A_107 : memref<6400xi32, #tpu.memory_space<hbm>>) dst(%arg5 : memref<6400xi32, #tpu.memory_space<vmem>>)
      tpu.yield
    }) : () -> ()
    %dma_start3A = arith.constant 0 : i32
    %dma_start3A_3 = tpu.memref_slice %arg5[%dma_start3A] : memref<6400xi32, #tpu.memory_space<vmem>> -> memref<128xi32, #tpu.memory_space<vmem>>
    %dma_start3A_4 = arith.constant 0 : i32
    %dma_start3A_5 = arith.constant 0 : i32
    %dma_start3A_6 = tpu.memref_slice %arg2[%dma_start3A_4, %dma_start3A_5] : memref<1000000x64xf32, #tpu.memory_space<hbm>> -> memref<1000000x64xf32, #tpu.memory_space<hbm>>
    tpu.enqueue_indirect_dma source(%dma_start3A_6 : memref<1000000x64xf32, #tpu.memory_space<hbm>>) target(%arg6 : memref<128x64xf32, #tpu.memory_space<vmem>>) offsets(%dma_start3A_3 : memref<128xi32, #tpu.memory_space<vmem>>) semaphore(%arg10 : memref<!tpu.dma_semaphore, #tpu.memory_space<semaphore_mem>>)
    %dma_start3A_7 = arith.constant 128 : i32
    %dma_start3A_8 = tpu.memref_slice %arg5[%dma_start3A_7] : memref<6400xi32, #tpu.memory_space<vmem>> -> memref<128xi32, #tpu.memory_space<vmem>>
    %dma_start3A_9 = arith.constant 0 : i32
    %dma_start3A_10 = arith.constant 0 : i32
    %dma_start3A_11 = tpu.memref_slice %arg2[%dma_start3A_9, %dma_start3A_10] : memref<1000000x64xf32, #tpu.memory_space<hbm>> -> memref<1000000x64xf32, #tpu.memory_space<hbm>>
    tpu.enqueue_indirect_dma source(%dma_start3A_11 : memref<1000000x64xf32, #tpu.memory_space<hbm>>) target(%arg7 : memref<128x64xf32, #tpu.memory_space<vmem>>) offsets(%dma_start3A_8 : memref<128xi32, #tpu.memory_space<vmem>>) semaphore(%arg11 : memref<!tpu.dma_semaphore, #tpu.memory_space<semaphore_mem>>)
    %dma_wait3A = arith.constant 0 : i32
    %dma_wait3A_12 = tpu.memref_slice %arg5[%dma_wait3A] : memref<6400xi32, #tpu.memory_space<vmem>> -> memref<128xi32, #tpu.memory_space<vmem>>
    %dma_wait3A_13 = arith.constant 0 : i32
    %dma_wait3A_14 = arith.constant 0 : i32
    %dma_wait3A_15 = tpu.memref_slice %arg2[%dma_wait3A_13, %dma_wait3A_14] : memref<1000000x64xf32, #tpu.memory_space<hbm>> -> memref<1000000x64xf32, #tpu.memory_space<hbm>>
    tpu.wait_indirect_dma semaphore(%arg10 : memref<!tpu.dma_semaphore, #tpu.memory_space<semaphore_mem>>) src(%dma_wait3A_15 : memref<1000000x64xf32, #tpu.memory_space<hbm>>) dst(%arg6 : memref<128x64xf32, #tpu.memory_space<vmem>>)
    %parallel_loop3A = arith.constant 0 : i32
    %parallel_loop3A_16 = arith.constant 128 : i32
    %parallel_loop3A_17 = arith.constant 1 : i32
    scf.for %parallel_loop3A_104 = %parallel_loop3A to %parallel_loop3A_16 step %parallel_loop3A_17  : i32 {
      %parallel_loop3A_105 = arith.index_cast %parallel_loop3A_104 : i32 to index
      %parallel_loop3A_106 = arith.constant 0 : index
      %parallel_loop3A_107 = tpu.vector_load %arg6[%parallel_loop3A_105, %parallel_loop3A_106] {strides = array<i32>} : memref<128x64xf32, #tpu.memory_space<vmem>>, vector<1x16xf32>,
      %parallel_loop3A_108 = vector.shape_cast %parallel_loop3A_107 : vector<1x16xf32> to vector<16xf32>
      %parallel_loop3A_109 = arith.constant 8.000000e+00 : f32
      %parallel_loop3A_110 = vector.broadcast %parallel_loop3A_109 : f32 to vector<16xf32>
      %parallel_loop3A_111 = arith.mulf %parallel_loop3A_108, %parallel_loop3A_110 : vector<16xf32>
      %parallel_loop3A_112 = arith.index_cast %parallel_loop3A_104 : i32 to index
      %parallel_loop3A_113 = arith.constant 0 : index
      %parallel_loop3A_114 = tpu.vector_load %arg8[%parallel_loop3A_112, %parallel_loop3A_113] {strides = array<i32>} : memref<128x64xf32, #tpu.memory_space<vmem>>, vector<1x16xf32>,
      %parallel_loop3A_115 = vector.shape_cast %parallel_loop3A_114 : vector<1x16xf32> to vector<16xf32>
      %parallel_loop3A_116 = vector.shape_cast %parallel_loop3A_111 : vector<16xf32> to vector<1x16xf32>
      tpu.vector_store %arg8[%parallel_loop3A_112, %parallel_loop3A_113], %parallel_loop3A_116 {strides = array<i32>} : memref<128x64xf32, #tpu.memory_space<vmem>>, vector<1x16xf32>,
      %parallel_loop3A_117 = arith.index_cast %parallel_loop3A_104 : i32 to index
      %parallel_loop3A_118 = arith.constant 16 : index
      %parallel_loop3A_119 = tpu.vector_load %arg6[%parallel_loop3A_117, %parallel_loop3A_118] {strides = array<i32>} : memref<128x64xf32, #tpu.memory_space<vmem>>, vector<1x16xf32>,
      %parallel_loop3A_120 = vector.shape_cast %parallel_loop3A_119 : vector<1x16xf32> to vector<16xf32>
      %parallel_loop3A_121 = arith.constant 8.000000e+00 : f32
      %parallel_loop3A_122 = vector.broadcast %parallel_loop3A_121 : f32 to vector<16xf32>
      %parallel_loop3A_123 = arith.mulf %parallel_loop3A_120, %parallel_loop3A_122 : vector<16xf32>
      %parallel_loop3A_124 = arith.index_cast %parallel_loop3A_104 : i32 to index
      %parallel_loop3A_125 = arith.constant 16 : index
      %parallel_loop3A_126 = tpu.vector_load %arg8[%parallel_loop3A_124, %parallel_loop3A_125] {strides = array<i32>} : memref<128x64xf32, #tpu.memory_space<vmem>>, vector<1x16xf32>,
      %parallel_loop3A_127 = vector.shape_cast %parallel_loop3A_126 : vector<1x16xf32> to vector<16xf32>
      %parallel_loop3A_128 = vector.shape_cast %parallel_loop3A_123 : vector<16xf32> to vector<1x16xf32>
      tpu.vector_store %arg8[%parallel_loop3A_124, %parallel_loop3A_125], %parallel_loop3A_128 {strides = array<i32>} : memref<128x64xf32, #tpu.memory_space<vmem>>, vector<1x16xf32>,
      %parallel_loop3A_129 = arith.index_cast %parallel_loop3A_104 : i32 to index
      %parallel_loop3A_130 = arith.constant 32 : index
      %parallel_loop3A_131 = tpu.vector_load %arg6[%parallel_loop3A_129, %parallel_loop3A_130] {strides = array<i32>} : memref<128x64xf32, #tpu.memory_space<vmem>>, vector<1x16xf32>,
      %parallel_loop3A_132 = vector.shape_cast %parallel_loop3A_131 : vector<1x16xf32> to vector<16xf32>
      %parallel_loop3A_133 = arith.constant 8.000000e+00 : f32
      %parallel_loop3A_134 = vector.broadcast %parallel_loop3A_133 : f32 to vector<16xf32>
      %parallel_loop3A_135 = arith.mulf %parallel_loop3A_132, %parallel_loop3A_134 : vector<16xf32>
      %parallel_loop3A_136 = arith.index_cast %parallel_loop3A_104 : i32 to index
      %parallel_loop3A_137 = arith.constant 32 : index
      %parallel_loop3A_138 = tpu.vector_load %arg8[%parallel_loop3A_136, %parallel_loop3A_137] {strides = array<i32>} : memref<128x64xf32, #tpu.memory_space<vmem>>, vector<1x16xf32>,
      %parallel_loop3A_139 = vector.shape_cast %parallel_loop3A_138 : vector<1x16xf32> to vector<16xf32>
      %parallel_loop3A_140 = vector.shape_cast %parallel_loop3A_135 : vector<16xf32> to vector<1x16xf32>
      tpu.vector_store %arg8[%parallel_loop3A_136, %parallel_loop3A_137], %parallel_loop3A_140 {strides = array<i32>} : memref<128x64xf32, #tpu.memory_space<vmem>>, vector<1x16xf32>,
      %parallel_loop3A_141 = arith.index_cast %parallel_loop3A_104 : i32 to index
      %parallel_loop3A_142 = arith.constant 48 : index
      %parallel_loop3A_143 = tpu.vector_load %arg6[%parallel_loop3A_141, %parallel_loop3A_142] {strides = array<i32>} : memref<128x64xf32, #tpu.memory_space<vmem>>, vector<1x16xf32>,
      %parallel_loop3A_144 = vector.shape_cast %parallel_loop3A_143 : vector<1x16xf32> to vector<16xf32>
      %parallel_loop3A_145 = arith.constant 8.000000e+00 : f32
      %parallel_loop3A_146 = vector.broadcast %parallel_loop3A_145 : f32 to vector<16xf32>
      %parallel_loop3A_147 = arith.mulf %parallel_loop3A_144, %parallel_loop3A_146 : vector<16xf32>
      %parallel_loop3A_148 = arith.index_cast %parallel_loop3A_104 : i32 to index
      %parallel_loop3A_149 = arith.constant 48 : index
      %parallel_loop3A_150 = tpu.vector_load %arg8[%parallel_loop3A_148, %parallel_loop3A_149] {strides = array<i32>} : memref<128x64xf32, #tpu.memory_space<vmem>>, vector<1x16xf32>,
      %parallel_loop3A_151 = vector.shape_cast %parallel_loop3A_150 : vector<1x16xf32> to vector<16xf32>
      %parallel_loop3A_152 = vector.shape_cast %parallel_loop3A_147 : vector<16xf32> to vector<1x16xf32>
      tpu.vector_store %arg8[%parallel_loop3A_148, %parallel_loop3A_149], %parallel_loop3A_152 {strides = array<i32>} : memref<128x64xf32, #tpu.memory_space<vmem>>, vector<1x16xf32>,
    } {sc.loop_unroll_factor = 2 : i64, sc.parallel_access}
    %add3A_18 = arith.constant 0 : i32
    %add3A_19 = arith.addi %mul3A_2, %add3A_18 : i32
    %dma_start3A_20 = arith.constant 0 : i32
    %dma_start3A_21 = tpu.memref_slice %arg4[%add3A_19, %dma_start3A_20] : memref<204800x64xf32, #tpu.memory_space<hbm>> -> memref<128x64xf32, #tpu.memory_space<hbm>>
    %dma_start3A_22 = arith.constant 0 : i32
    %dma_start3A_23 = tpu.memref_slice %arg4[%add3A_19, %dma_start3A_22] : memref<204800x64xf32, #tpu.memory_space<hbm>> -> memref<128x64xf32, #tpu.memory_space<hbm>>
    tpu.enqueue_dma source(%arg8 : memref<128x64xf32, #tpu.memory_space<vmem>>) target(%dma_start3A_23 : memref<128x64xf32, #tpu.memory_space<hbm>>) target_semaphore(%arg12 : memref<!tpu.dma_semaphore, #tpu.memory_space<semaphore_mem>>)
    %dma_start3A_24 = arith.constant 256 : i32
    %dma_start3A_25 = tpu.memref_slice %arg5[%dma_start3A_24] : memref<6400xi32, #tpu.memory_space<vmem>> -> memref<128xi32, #tpu.memory_space<vmem>>
    %dma_start3A_26 = arith.constant 0 : i32
    %dma_start3A_27 = arith.constant 0 : i32
    %dma_start3A_28 = tpu.memref_slice %arg2[%dma_start3A_26, %dma_start3A_27] : memref<1000000x64xf32, #tpu.memory_space<hbm>> -> memref<1000000x64xf32, #tpu.memory_space<hbm>>
    tpu.enqueue_indirect_dma source(%dma_start3A_28 : memref<1000000x64xf32, #tpu.memory_space<hbm>>) target(%arg6 : memref<128x64xf32, #tpu.memory_space<vmem>>) offsets(%dma_start3A_25 : memref<128xi32, #tpu.memory_space<vmem>>) semaphore(%arg10 : memref<!tpu.dma_semaphore, #tpu.memory_space<semaphore_mem>>)
    %dma_wait3A_29 = arith.constant 0 : i32
    %dma_wait3A_30 = tpu.memref_slice %arg5[%dma_wait3A_29] : memref<6400xi32, #tpu.memory_space<vmem>> -> memref<128xi32, #tpu.memory_space<vmem>>
    %dma_wait3A_31 = arith.constant 0 : i32
    %dma_wait3A_32 = arith.constant 0 : i32
    %dma_wait3A_33 = tpu.memref_slice %arg2[%dma_wait3A_31, %dma_wait3A_32] : memref<1000000x64xf32, #tpu.memory_space<hbm>> -> memref<1000000x64xf32, #tpu.memory_space<hbm>>
    tpu.wait_indirect_dma semaphore(%arg11 : memref<!tpu.dma_semaphore, #tpu.memory_space<semaphore_mem>>) src(%dma_wait3A_33 : memref<1000000x64xf32, #tpu.memory_space<hbm>>) dst(%arg7 : memref<128x64xf32, #tpu.memory_space<vmem>>)
    %parallel_loop3A_34 = arith.constant 0 : i32
    %parallel_loop3A_35 = arith.constant 128 : i32
    %parallel_loop3A_36 = arith.constant 1 : i32
    scf.for %parallel_loop3A_104 = %parallel_loop3A_34 to %parallel_loop3A_35 step %parallel_loop3A_36  : i32 {
      %parallel_loop3A_105 = arith.index_cast %parallel_loop3A_104 : i32 to index
      %parallel_loop3A_106 = arith.constant 0 : index
      %parallel_loop3A_107 = tpu.vector_load %arg7[%parallel_loop3A_105, %parallel_loop3A_106] {strides = array<i32>} : memref<128x64xf32, #tpu.memory_space<vmem>>, vector<1x16xf32>,
      %parallel_loop3A_108 = vector.shape_cast %parallel_loop3A_107 : vector<1x16xf32> to vector<16xf32>
      %parallel_loop3A_109 = arith.constant 8.000000e+00 : f32
      %parallel_loop3A_110 = vector.broadcast %parallel_loop3A_109 : f32 to vector<16xf32>
      %parallel_loop3A_111 = arith.mulf %parallel_loop3A_108, %parallel_loop3A_110 : vector<16xf32>
      %parallel_loop3A_112 = arith.index_cast %parallel_loop3A_104 : i32 to index
      %parallel_loop3A_113 = arith.constant 0 : index
      %parallel_loop3A_114 = tpu.vector_load %arg9[%parallel_loop3A_112, %parallel_loop3A_113] {strides = array<i32>} : memref<128x64xf32, #tpu.memory_space<vmem>>, vector<1x16xf32>,
      %parallel_loop3A_115 = vector.shape_cast %parallel_loop3A_114 : vector<1x16xf32> to vector<16xf32>
      %parallel_loop3A_116 = vector.shape_cast %parallel_loop3A_111 : vector<16xf32> to vector<1x16xf32>
      tpu.vector_store %arg9[%parallel_loop3A_112, %parallel_loop3A_113], %parallel_loop3A_116 {strides = array<i32>} : memref<128x64xf32, #tpu.memory_space<vmem>>, vector<1x16xf32>,
      %parallel_loop3A_117 = arith.index_cast %parallel_loop3A_104 : i32 to index
      %parallel_loop3A_118 = arith.constant 16 : index
      %parallel_loop3A_119 = tpu.vector_load %arg7[%parallel_loop3A_117, %parallel_loop3A_118] {strides = array<i32>} : memref<128x64xf32, #tpu.memory_space<vmem>>, vector<1x16xf32>,
      %parallel_loop3A_120 = vector.shape_cast %parallel_loop3A_119 : vector<1x16xf32> to vector<16xf32>
      %parallel_loop3A_121 = arith.constant 8.000000e+00 : f32
      %parallel_loop3A_122 = vector.broadcast %parallel_loop3A_121 : f32 to vector<16xf32>
      %parallel_loop3A_123 = arith.mulf %parallel_loop3A_120, %parallel_loop3A_122 : vector<16xf32>
      %parallel_loop3A_124 = arith.index_cast %parallel_loop3A_104 : i32 to index
      %parallel_loop3A_125 = arith.constant 16 : index
      %parallel_loop3A_126 = tpu.vector_load %arg9[%parallel_loop3A_124, %parallel_loop3A_125] {strides = array<i32>} : memref<128x64xf32, #tpu.memory_space<vmem>>, vector<1x16xf32>,
      %parallel_loop3A_127 = vector.shape_cast %parallel_loop3A_126 : vector<1x16xf32> to vector<16xf32>
      %parallel_loop3A_128 = vector.shape_cast %parallel_loop3A_123 : vector<16xf32> to vector<1x16xf32>
      tpu.vector_store %arg9[%parallel_loop3A_124, %parallel_loop3A_125], %parallel_loop3A_128 {strides = array<i32>} : memref<128x64xf32, #tpu.memory_space<vmem>>, vector<1x16xf32>,
      %parallel_loop3A_129 = arith.index_cast %parallel_loop3A_104 : i32 to index
      %parallel_loop3A_130 = arith.constant 32 : index
      %parallel_loop3A_131 = tpu.vector_load %arg7[%parallel_loop3A_129, %parallel_loop3A_130] {strides = array<i32>} : memref<128x64xf32, #tpu.memory_space<vmem>>, vector<1x16xf32>,
      %parallel_loop3A_132 = vector.shape_cast %parallel_loop3A_131 : vector<1x16xf32> to vector<16xf32>
      %parallel_loop3A_133 = arith.constant 8.000000e+00 : f32
      %parallel_loop3A_134 = vector.broadcast %parallel_loop3A_133 : f32 to vector<16xf32>
      %parallel_loop3A_135 = arith.mulf %parallel_loop3A_132, %parallel_loop3A_134 : vector<16xf32>
      %parallel_loop3A_136 = arith.index_cast %parallel_loop3A_104 : i32 to index
      %parallel_loop3A_137 = arith.constant 32 : index
      %parallel_loop3A_138 = tpu.vector_load %arg9[%parallel_loop3A_136, %parallel_loop3A_137] {strides = array<i32>} : memref<128x64xf32, #tpu.memory_space<vmem>>, vector<1x16xf32>,
      %parallel_loop3A_139 = vector.shape_cast %parallel_loop3A_138 : vector<1x16xf32> to vector<16xf32>
      %parallel_loop3A_140 = vector.shape_cast %parallel_loop3A_135 : vector<16xf32> to vector<1x16xf32>
      tpu.vector_store %arg9[%parallel_loop3A_136, %parallel_loop3A_137], %parallel_loop3A_140 {strides = array<i32>} : memref<128x64xf32, #tpu.memory_space<vmem>>, vector<1x16xf32>,
      %parallel_loop3A_141 = arith.index_cast %parallel_loop3A_104 : i32 to index
      %parallel_loop3A_142 = arith.constant 48 : index
      %parallel_loop3A_143 = tpu.vector_load %arg7[%parallel_loop3A_141, %parallel_loop3A_142] {strides = array<i32>} : memref<128x64xf32, #tpu.memory_space<vmem>>, vector<1x16xf32>,
      %parallel_loop3A_144 = vector.shape_cast %parallel_loop3A_143 : vector<1x16xf32> to vector<16xf32>
      %parallel_loop3A_145 = arith.constant 8.000000e+00 : f32
      %parallel_loop3A_146 = vector.broadcast %parallel_loop3A_145 : f32 to vector<16xf32>
      %parallel_loop3A_147 = arith.mulf %parallel_loop3A_144, %parallel_loop3A_146 : vector<16xf32>
      %parallel_loop3A_148 = arith.index_cast %parallel_loop3A_104 : i32 to index
      %parallel_loop3A_149 = arith.constant 48 : index
      %parallel_loop3A_150 = tpu.vector_load %arg9[%parallel_loop3A_148, %parallel_loop3A_149] {strides = array<i32>} : memref<128x64xf32, #tpu.memory_space<vmem>>, vector<1x16xf32>,
      %parallel_loop3A_151 = vector.shape_cast %parallel_loop3A_150 : vector<1x16xf32> to vector<16xf32>
      %parallel_loop3A_152 = vector.shape_cast %parallel_loop3A_147 : vector<16xf32> to vector<1x16xf32>
      tpu.vector_store %arg9[%parallel_loop3A_148, %parallel_loop3A_149], %parallel_loop3A_152 {strides = array<i32>} : memref<128x64xf32, #tpu.memory_space<vmem>>, vector<1x16xf32>,
    } {sc.loop_unroll_factor = 2 : i64, sc.parallel_access}
    %add3A_37 = arith.constant 128 : i32
    %add3A_38 = arith.addi %mul3A_2, %add3A_37 : i32
    %dma_start3A_39 = arith.constant 0 : i32
    %dma_start3A_40 = tpu.memref_slice %arg4[%add3A_38, %dma_start3A_39] : memref<204800x64xf32, #tpu.memory_space<hbm>> -> memref<128x64xf32, #tpu.memory_space<hbm>>
    %dma_start3A_41 = arith.constant 0 : i32
    %dma_start3A_42 = tpu.memref_slice %arg4[%add3A_38, %dma_start3A_41] : memref<204800x64xf32, #tpu.memory_space<hbm>> -> memref<128x64xf32, #tpu.memory_space<hbm>>
    tpu.enqueue_dma source(%arg9 : memref<128x64xf32, #tpu.memory_space<vmem>>) target(%dma_start3A_42 : memref<128x64xf32, #tpu.memory_space<hbm>>) target_semaphore(%arg13 : memref<!tpu.dma_semaphore, #tpu.memory_space<semaphore_mem>>)
    %dma_start3A_43 = arith.constant 384 : i32
    %dma_start3A_44 = tpu.memref_slice %arg5[%dma_start3A_43] : memref<6400xi32, #tpu.memory_space<vmem>> -> memref<128xi32, #tpu.memory_space<vmem>>
    %dma_start3A_45 = arith.constant 0 : i32
    %dma_start3A_46 = arith.constant 0 : i32
    %dma_start3A_47 = tpu.memref_slice %arg2[%dma_start3A_45, %dma_start3A_46] : memref<1000000x64xf32, #tpu.memory_space<hbm>> -> memref<1000000x64xf32, #tpu.memory_space<hbm>>
    tpu.enqueue_indirect_dma source(%dma_start3A_47 : memref<1000000x64xf32, #tpu.memory_space<hbm>>) target(%arg7 : memref<128x64xf32, #tpu.memory_space<vmem>>) offsets(%dma_start3A_44 : memref<128xi32, #tpu.memory_space<vmem>>) semaphore(%arg11 : memref<!tpu.dma_semaphore, #tpu.memory_space<semaphore_mem>>)
    %scan3A = arith.constant 0 : i32
    %scan3A_48 = arith.constant 23 : i32
    %scan3A_49 = arith.addi %scan3A, %scan3A_48 : i32
    %scan3A_50 = arith.constant 1 : i32
    scf.for %scan3A_104 = %scan3A to %scan3A_49 step %scan3A_50  : i32 {
      %mul3A_105 = arith.constant 2 : i32
      %mul3A_106 = arith.muli %scan3A_104, %mul3A_105 : i32
      %add3A_107 = arith.constant 2 : i32
      %add3A_108 = arith.addi %add3A_107, %mul3A_106 : i32
      %add3A_109 = arith.constant 0 : i32
      %add3A_110 = arith.addi %add3A_108, %add3A_109 : i32
      %dma_wait3A_111 = arith.constant 0 : i32
      %dma_wait3A_112 = tpu.memref_slice %arg5[%dma_wait3A_111] : memref<6400xi32, #tpu.memory_space<vmem>> -> memref<128xi32, #tpu.memory_space<vmem>>
      %dma_wait3A_113 = arith.constant 0 : i32
      %dma_wait3A_114 = arith.constant 0 : i32
      %dma_wait3A_115 = tpu.memref_slice %arg2[%dma_wait3A_113, %dma_wait3A_114] : memref<1000000x64xf32, #tpu.memory_space<hbm>> -> memref<1000000x64xf32, #tpu.memory_space<hbm>>
      tpu.wait_indirect_dma semaphore(%arg10 : memref<!tpu.dma_semaphore, #tpu.memory_space<semaphore_mem>>) src(%dma_wait3A_115 : memref<1000000x64xf32, #tpu.memory_space<hbm>>) dst(%arg6 : memref<128x64xf32, #tpu.memory_space<vmem>>)
      %dma_wait3A_116 = arith.constant 0 : i32
      %dma_wait3A_117 = arith.constant 0 : i32
      %dma_wait3A_118 = tpu.memref_slice %arg4[%dma_wait3A_116, %dma_wait3A_117] : memref<204800x64xf32, #tpu.memory_space<hbm>> -> memref<128x64xf32, #tpu.memory_space<hbm>>
      %dma_wait3A_119 = arith.constant 0 : i32
      %dma_wait3A_120 = arith.constant 0 : i32
      %dma_wait3A_121 = tpu.memref_slice %arg4[%dma_wait3A_119, %dma_wait3A_120] : memref<204800x64xf32, #tpu.memory_space<hbm>> -> memref<128x64xf32, #tpu.memory_space<hbm>>
      tpu.wait_dma2 semaphore(%arg12 : memref<!tpu.dma_semaphore, #tpu.memory_space<semaphore_mem>>) src(%arg8 : memref<128x64xf32, #tpu.memory_space<vmem>>) dst(%dma_wait3A_121 : memref<128x64xf32, #tpu.memory_space<hbm>>)
      %parallel_loop3A_122 = arith.constant 0 : i32
      %parallel_loop3A_123 = arith.constant 128 : i32
      %parallel_loop3A_124 = arith.constant 1 : i32
      scf.for %parallel_loop3A_171 = %parallel_loop3A_122 to %parallel_loop3A_123 step %parallel_loop3A_124  : i32 {
        %parallel_loop3A_172 = arith.index_cast %parallel_loop3A_171 : i32 to index
        %parallel_loop3A_173 = arith.constant 0 : index
        %parallel_loop3A_174 = tpu.vector_load %arg6[%parallel_loop3A_172, %parallel_loop3A_173] {strides = array<i32>} : memref<128x64xf32, #tpu.memory_space<vmem>>, vector<1x16xf32>,
        %parallel_loop3A_175 = vector.shape_cast %parallel_loop3A_174 : vector<1x16xf32> to vector<16xf32>
        %parallel_loop3A_176 = arith.constant 8.000000e+00 : f32
        %parallel_loop3A_177 = vector.broadcast %parallel_loop3A_176 : f32 to vector<16xf32>
        %parallel_loop3A_178 = arith.mulf %parallel_loop3A_175, %parallel_loop3A_177 : vector<16xf32>
        %parallel_loop3A_179 = arith.index_cast %parallel_loop3A_171 : i32 to index
        %parallel_loop3A_180 = arith.constant 0 : index
        %parallel_loop3A_181 = tpu.vector_load %arg8[%parallel_loop3A_179, %parallel_loop3A_180] {strides = array<i32>} : memref<128x64xf32, #tpu.memory_space<vmem>>, vector<1x16xf32>,
        %parallel_loop3A_182 = vector.shape_cast %parallel_loop3A_181 : vector<1x16xf32> to vector<16xf32>
        %parallel_loop3A_183 = vector.shape_cast %parallel_loop3A_178 : vector<16xf32> to vector<1x16xf32>
        tpu.vector_store %arg8[%parallel_loop3A_179, %parallel_loop3A_180], %parallel_loop3A_183 {strides = array<i32>} : memref<128x64xf32, #tpu.memory_space<vmem>>, vector<1x16xf32>,
        %parallel_loop3A_184 = arith.index_cast %parallel_loop3A_171 : i32 to index
        %parallel_loop3A_185 = arith.constant 16 : index
        %parallel_loop3A_186 = tpu.vector_load %arg6[%parallel_loop3A_184, %parallel_loop3A_185] {strides = array<i32>} : memref<128x64xf32, #tpu.memory_space<vmem>>, vector<1x16xf32>,
        %parallel_loop3A_187 = vector.shape_cast %parallel_loop3A_186 : vector<1x16xf32> to vector<16xf32>
        %parallel_loop3A_188 = arith.constant 8.000000e+00 : f32
        %parallel_loop3A_189 = vector.broadcast %parallel_loop3A_188 : f32 to vector<16xf32>
        %parallel_loop3A_190 = arith.mulf %parallel_loop3A_187, %parallel_loop3A_189 : vector<16xf32>
        %parallel_loop3A_191 = arith.index_cast %parallel_loop3A_171 : i32 to index
        %parallel_loop3A_192 = arith.constant 16 : index
        %parallel_loop3A_193 = tpu.vector_load %arg8[%parallel_loop3A_191, %parallel_loop3A_192] {strides = array<i32>} : memref<128x64xf32, #tpu.memory_space<vmem>>, vector<1x16xf32>,
        %parallel_loop3A_194 = vector.shape_cast %parallel_loop3A_193 : vector<1x16xf32> to vector<16xf32>
        %parallel_loop3A_195 = vector.shape_cast %parallel_loop3A_190 : vector<16xf32> to vector<1x16xf32>
        tpu.vector_store %arg8[%parallel_loop3A_191, %parallel_loop3A_192], %parallel_loop3A_195 {strides = array<i32>} : memref<128x64xf32, #tpu.memory_space<vmem>>, vector<1x16xf32>,
        %parallel_loop3A_196 = arith.index_cast %parallel_loop3A_171 : i32 to index
        %parallel_loop3A_197 = arith.constant 32 : index
        %parallel_loop3A_198 = tpu.vector_load %arg6[%parallel_loop3A_196, %parallel_loop3A_197] {strides = array<i32>} : memref<128x64xf32, #tpu.memory_space<vmem>>, vector<1x16xf32>,
        %parallel_loop3A_199 = vector.shape_cast %parallel_loop3A_198 : vector<1x16xf32> to vector<16xf32>
        %parallel_loop3A_200 = arith.constant 8.000000e+00 : f32
        %parallel_loop3A_201 = vector.broadcast %parallel_loop3A_200 : f32 to vector<16xf32>
        %parallel_loop3A_202 = arith.mulf %parallel_loop3A_199, %parallel_loop3A_201 : vector<16xf32>
        %parallel_loop3A_203 = arith.index_cast %parallel_loop3A_171 : i32 to index
        %parallel_loop3A_204 = arith.constant 32 : index
        %parallel_loop3A_205 = tpu.vector_load %arg8[%parallel_loop3A_203, %parallel_loop3A_204] {strides = array<i32>} : memref<128x64xf32, #tpu.memory_space<vmem>>, vector<1x16xf32>,
        %parallel_loop3A_206 = vector.shape_cast %parallel_loop3A_205 : vector<1x16xf32> to vector<16xf32>
        %parallel_loop3A_207 = vector.shape_cast %parallel_loop3A_202 : vector<16xf32> to vector<1x16xf32>
        tpu.vector_store %arg8[%parallel_loop3A_203, %parallel_loop3A_204], %parallel_loop3A_207 {strides = array<i32>} : memref<128x64xf32, #tpu.memory_space<vmem>>, vector<1x16xf32>,
        %parallel_loop3A_208 = arith.index_cast %parallel_loop3A_171 : i32 to index
        %parallel_loop3A_209 = arith.constant 48 : index
        %parallel_loop3A_210 = tpu.vector_load %arg6[%parallel_loop3A_208, %parallel_loop3A_209] {strides = array<i32>} : memref<128x64xf32, #tpu.memory_space<vmem>>, vector<1x16xf32>,
        %parallel_loop3A_211 = vector.shape_cast %parallel_loop3A_210 : vector<1x16xf32> to vector<16xf32>
        %parallel_loop3A_212 = arith.constant 8.000000e+00 : f32
        %parallel_loop3A_213 = vector.broadcast %parallel_loop3A_212 : f32 to vector<16xf32>
        %parallel_loop3A_214 = arith.mulf %parallel_loop3A_211, %parallel_loop3A_213 : vector<16xf32>
        %parallel_loop3A_215 = arith.index_cast %parallel_loop3A_171 : i32 to index
        %parallel_loop3A_216 = arith.constant 48 : index
        %parallel_loop3A_217 = tpu.vector_load %arg8[%parallel_loop3A_215, %parallel_loop3A_216] {strides = array<i32>} : memref<128x64xf32, #tpu.memory_space<vmem>>, vector<1x16xf32>,
        %parallel_loop3A_218 = vector.shape_cast %parallel_loop3A_217 : vector<1x16xf32> to vector<16xf32>
        %parallel_loop3A_219 = vector.shape_cast %parallel_loop3A_214 : vector<16xf32> to vector<1x16xf32>
        tpu.vector_store %arg8[%parallel_loop3A_215, %parallel_loop3A_216], %parallel_loop3A_219 {strides = array<i32>} : memref<128x64xf32, #tpu.memory_space<vmem>>, vector<1x16xf32>,
      } {sc.loop_unroll_factor = 2 : i64, sc.parallel_access}
      %mul3A_125 = arith.constant 128 : i32
      %mul3A_126 = arith.muli %add3A_110, %mul3A_125 : i32
      %add3A_127 = arith.addi %mul3A_2, %mul3A_126 : i32
      %dma_start3A_128 = arith.constant 0 : i32
      %dma_start3A_129 = tpu.memref_slice %arg4[%add3A_127, %dma_start3A_128] : memref<204800x64xf32, #tpu.memory_space<hbm>> -> memref<128x64xf32, #tpu.memory_space<hbm>>
      %dma_start3A_130 = arith.constant 0 : i32
      %dma_start3A_131 = tpu.memref_slice %arg4[%add3A_127, %dma_start3A_130] : memref<204800x64xf32, #tpu.memory_space<hbm>> -> memref<128x64xf32, #tpu.memory_space<hbm>>
      tpu.enqueue_dma source(%arg8 : memref<128x64xf32, #tpu.memory_space<vmem>>) target(%dma_start3A_131 : memref<128x64xf32, #tpu.memory_space<hbm>>) target_semaphore(%arg12 : memref<!tpu.dma_semaphore, #tpu.memory_space<semaphore_mem>>)
      %add3A_132 = arith.constant 2 : i32
      %add3A_133 = arith.addi %add3A_110, %add3A_132 : i32
      %mul3A_134 = arith.constant 128 : i32
      %mul3A_135 = arith.muli %add3A_133, %mul3A_134 : i32
      %dma_start3A_136 = tpu.memref_slice %arg5[%mul3A_135] : memref<6400xi32, #tpu.memory_space<vmem>> -> memref<128xi32, #tpu.memory_space<vmem>>
      %dma_start3A_137 = arith.constant 0 : i32
      %dma_start3A_138 = arith.constant 0 : i32
      %dma_start3A_139 = tpu.memref_slice %arg2[%dma_start3A_137, %dma_start3A_138] : memref<1000000x64xf32, #tpu.memory_space<hbm>> -> memref<1000000x64xf32, #tpu.memory_space<hbm>>
      tpu.enqueue_indirect_dma source(%dma_start3A_139 : memref<1000000x64xf32, #tpu.memory_space<hbm>>) target(%arg6 : memref<128x64xf32, #tpu.memory_space<vmem>>) offsets(%dma_start3A_136 : memref<128xi32, #tpu.memory_space<vmem>>) semaphore(%arg10 : memref<!tpu.dma_semaphore, #tpu.memory_space<semaphore_mem>>)
      %add3A_140 = arith.constant 1 : i32
      %add3A_141 = arith.addi %add3A_108, %add3A_140 : i32
      %dma_wait3A_142 = arith.constant 0 : i32
      %dma_wait3A_143 = tpu.memref_slice %arg5[%dma_wait3A_142] : memref<6400xi32, #tpu.memory_space<vmem>> -> memref<128xi32, #tpu.memory_space<vmem>>
      %dma_wait3A_144 = arith.constant 0 : i32
      %dma_wait3A_145 = arith.constant 0 : i32
      %dma_wait3A_146 = tpu.memref_slice %arg2[%dma_wait3A_144, %dma_wait3A_145] : memref<1000000x64xf32, #tpu.memory_space<hbm>> -> memref<1000000x64xf32, #tpu.memory_space<hbm>>
      tpu.wait_indirect_dma semaphore(%arg11 : memref<!tpu.dma_semaphore, #tpu.memory_space<semaphore_mem>>) src(%dma_wait3A_146 : memref<1000000x64xf32, #tpu.memory_space<hbm>>) dst(%arg7 : memref<128x64xf32, #tpu.memory_space<vmem>>)
      %dma_wait3A_147 = arith.constant 0 : i32
      %dma_wait3A_148 = arith.constant 0 : i32
      %dma_wait3A_149 = tpu.memref_slice %arg4[%dma_wait3A_147, %dma_wait3A_148] : memref<204800x64xf32, #tpu.memory_space<hbm>> -> memref<128x64xf32, #tpu.memory_space<hbm>>
      %dma_wait3A_150 = arith.constant 0 : i32
      %dma_wait3A_151 = arith.constant 0 : i32
      %dma_wait3A_152 = tpu.memref_slice %arg4[%dma_wait3A_150, %dma_wait3A_151] : memref<204800x64xf32, #tpu.memory_space<hbm>> -> memref<128x64xf32, #tpu.memory_space<hbm>>
      tpu.wait_dma2 semaphore(%arg13 : memref<!tpu.dma_semaphore, #tpu.memory_space<semaphore_mem>>) src(%arg9 : memref<128x64xf32, #tpu.memory_space<vmem>>) dst(%dma_wait3A_152 : memref<128x64xf32, #tpu.memory_space<hbm>>)
      %parallel_loop3A_153 = arith.constant 0 : i32
      %parallel_loop3A_154 = arith.constant 128 : i32
      %parallel_loop3A_155 = arith.constant 1 : i32
      scf.for %parallel_loop3A_171 = %parallel_loop3A_153 to %parallel_loop3A_154 step %parallel_loop3A_155  : i32 {
        %parallel_loop3A_172 = arith.index_cast %parallel_loop3A_171 : i32 to index
        %parallel_loop3A_173 = arith.constant 0 : index
        %parallel_loop3A_174 = tpu.vector_load %arg7[%parallel_loop3A_172, %parallel_loop3A_173] {strides = array<i32>} : memref<128x64xf32, #tpu.memory_space<vmem>>, vector<1x16xf32>,
        %parallel_loop3A_175 = vector.shape_cast %parallel_loop3A_174 : vector<1x16xf32> to vector<16xf32>
        %parallel_loop3A_176 = arith.constant 8.000000e+00 : f32
        %parallel_loop3A_177 = vector.broadcast %parallel_loop3A_176 : f32 to vector<16xf32>
        %parallel_loop3A_178 = arith.mulf %parallel_loop3A_175, %parallel_loop3A_177 : vector<16xf32>
        %parallel_loop3A_179 = arith.index_cast %parallel_loop3A_171 : i32 to index
        %parallel_loop3A_180 = arith.constant 0 : index
        %parallel_loop3A_181 = tpu.vector_load %arg9[%parallel_loop3A_179, %parallel_loop3A_180] {strides = array<i32>} : memref<128x64xf32, #tpu.memory_space<vmem>>, vector<1x16xf32>,
        %parallel_loop3A_182 = vector.shape_cast %parallel_loop3A_181 : vector<1x16xf32> to vector<16xf32>
        %parallel_loop3A_183 = vector.shape_cast %parallel_loop3A_178 : vector<16xf32> to vector<1x16xf32>
        tpu.vector_store %arg9[%parallel_loop3A_179, %parallel_loop3A_180], %parallel_loop3A_183 {strides = array<i32>} : memref<128x64xf32, #tpu.memory_space<vmem>>, vector<1x16xf32>,
        %parallel_loop3A_184 = arith.index_cast %parallel_loop3A_171 : i32 to index
        %parallel_loop3A_185 = arith.constant 16 : index
        %parallel_loop3A_186 = tpu.vector_load %arg7[%parallel_loop3A_184, %parallel_loop3A_185] {strides = array<i32>} : memref<128x64xf32, #tpu.memory_space<vmem>>, vector<1x16xf32>,
        %parallel_loop3A_187 = vector.shape_cast %parallel_loop3A_186 : vector<1x16xf32> to vector<16xf32>
        %parallel_loop3A_188 = arith.constant 8.000000e+00 : f32
        %parallel_loop3A_189 = vector.broadcast %parallel_loop3A_188 : f32 to vector<16xf32>
        %parallel_loop3A_190 = arith.mulf %parallel_loop3A_187, %parallel_loop3A_189 : vector<16xf32>
        %parallel_loop3A_191 = arith.index_cast %parallel_loop3A_171 : i32 to index
        %parallel_loop3A_192 = arith.constant 16 : index
        %parallel_loop3A_193 = tpu.vector_load %arg9[%parallel_loop3A_191, %parallel_loop3A_192] {strides = array<i32>} : memref<128x64xf32, #tpu.memory_space<vmem>>, vector<1x16xf32>,
        %parallel_loop3A_194 = vector.shape_cast %parallel_loop3A_193 : vector<1x16xf32> to vector<16xf32>
        %parallel_loop3A_195 = vector.shape_cast %parallel_loop3A_190 : vector<16xf32> to vector<1x16xf32>
        tpu.vector_store %arg9[%parallel_loop3A_191, %parallel_loop3A_192], %parallel_loop3A_195 {strides = array<i32>} : memref<128x64xf32, #tpu.memory_space<vmem>>, vector<1x16xf32>,
        %parallel_loop3A_196 = arith.index_cast %parallel_loop3A_171 : i32 to index
        %parallel_loop3A_197 = arith.constant 32 : index
        %parallel_loop3A_198 = tpu.vector_load %arg7[%parallel_loop3A_196, %parallel_loop3A_197] {strides = array<i32>} : memref<128x64xf32, #tpu.memory_space<vmem>>, vector<1x16xf32>,
        %parallel_loop3A_199 = vector.shape_cast %parallel_loop3A_198 : vector<1x16xf32> to vector<16xf32>
        %parallel_loop3A_200 = arith.constant 8.000000e+00 : f32
        %parallel_loop3A_201 = vector.broadcast %parallel_loop3A_200 : f32 to vector<16xf32>
        %parallel_loop3A_202 = arith.mulf %parallel_loop3A_199, %parallel_loop3A_201 : vector<16xf32>
        %parallel_loop3A_203 = arith.index_cast %parallel_loop3A_171 : i32 to index
        %parallel_loop3A_204 = arith.constant 32 : index
        %parallel_loop3A_205 = tpu.vector_load %arg9[%parallel_loop3A_203, %parallel_loop3A_204] {strides = array<i32>} : memref<128x64xf32, #tpu.memory_space<vmem>>, vector<1x16xf32>,
        %parallel_loop3A_206 = vector.shape_cast %parallel_loop3A_205 : vector<1x16xf32> to vector<16xf32>
        %parallel_loop3A_207 = vector.shape_cast %parallel_loop3A_202 : vector<16xf32> to vector<1x16xf32>
        tpu.vector_store %arg9[%parallel_loop3A_203, %parallel_loop3A_204], %parallel_loop3A_207 {strides = array<i32>} : memref<128x64xf32, #tpu.memory_space<vmem>>, vector<1x16xf32>,
        %parallel_loop3A_208 = arith.index_cast %parallel_loop3A_171 : i32 to index
        %parallel_loop3A_209 = arith.constant 48 : index
        %parallel_loop3A_210 = tpu.vector_load %arg7[%parallel_loop3A_208, %parallel_loop3A_209] {strides = array<i32>} : memref<128x64xf32, #tpu.memory_space<vmem>>, vector<1x16xf32>,
        %parallel_loop3A_211 = vector.shape_cast %parallel_loop3A_210 : vector<1x16xf32> to vector<16xf32>
        %parallel_loop3A_212 = arith.constant 8.000000e+00 : f32
        %parallel_loop3A_213 = vector.broadcast %parallel_loop3A_212 : f32 to vector<16xf32>
        %parallel_loop3A_214 = arith.mulf %parallel_loop3A_211, %parallel_loop3A_213 : vector<16xf32>
        %parallel_loop3A_215 = arith.index_cast %parallel_loop3A_171 : i32 to index
        %parallel_loop3A_216 = arith.constant 48 : index
        %parallel_loop3A_217 = tpu.vector_load %arg9[%parallel_loop3A_215, %parallel_loop3A_216] {strides = array<i32>} : memref<128x64xf32, #tpu.memory_space<vmem>>, vector<1x16xf32>,
        %parallel_loop3A_218 = vector.shape_cast %parallel_loop3A_217 : vector<1x16xf32> to vector<16xf32>
        %parallel_loop3A_219 = vector.shape_cast %parallel_loop3A_214 : vector<16xf32> to vector<1x16xf32>
        tpu.vector_store %arg9[%parallel_loop3A_215, %parallel_loop3A_216], %parallel_loop3A_219 {strides = array<i32>} : memref<128x64xf32, #tpu.memory_space<vmem>>, vector<1x16xf32>,
      } {sc.loop_unroll_factor = 2 : i64, sc.parallel_access}
      %mul3A_156 = arith.constant 128 : i32
      %mul3A_157 = arith.muli %add3A_141, %mul3A_156 : i32
      %add3A_158 = arith.addi %mul3A_2, %mul3A_157 : i32
      %dma_start3A_159 = arith.constant 0 : i32
      %dma_start3A_160 = tpu.memref_slice %arg4[%add3A_158, %dma_start3A_159] : memref<204800x64xf32, #tpu.memory_space<hbm>> -> memref<128x64xf32, #tpu.memory_space<hbm>>
      %dma_start3A_161 = arith.constant 0 : i32
      %dma_start3A_162 = tpu.memref_slice %arg4[%add3A_158, %dma_start3A_161] : memref<204800x64xf32, #tpu.memory_space<hbm>> -> memref<128x64xf32, #tpu.memory_space<hbm>>
      tpu.enqueue_dma source(%arg9 : memref<128x64xf32, #tpu.memory_space<vmem>>) target(%dma_start3A_162 : memref<128x64xf32, #tpu.memory_space<hbm>>) target_semaphore(%arg13 : memref<!tpu.dma_semaphore, #tpu.memory_space<semaphore_mem>>)
      %add3A_163 = arith.constant 2 : i32
      %add3A_164 = arith.addi %add3A_141, %add3A_163 : i32
      %mul3A_165 = arith.constant 128 : i32
      %mul3A_166 = arith.muli %add3A_164, %mul3A_165 : i32
      %dma_start3A_167 = tpu.memref_slice %arg5[%mul3A_166] : memref<6400xi32, #tpu.memory_space<vmem>> -> memref<128xi32, #tpu.memory_space<vmem>>
      %dma_start3A_168 = arith.constant 0 : i32
      %dma_start3A_169 = arith.constant 0 : i32
      %dma_start3A_170 = tpu.memref_slice %arg2[%dma_start3A_168, %dma_start3A_169] : memref<1000000x64xf32, #tpu.memory_space<hbm>> -> memref<1000000x64xf32, #tpu.memory_space<hbm>>
      tpu.enqueue_indirect_dma source(%dma_start3A_170 : memref<1000000x64xf32, #tpu.memory_space<hbm>>) target(%arg7 : memref<128x64xf32, #tpu.memory_space<vmem>>) offsets(%dma_start3A_167 : memref<128xi32, #tpu.memory_space<vmem>>) semaphore(%arg11 : memref<!tpu.dma_semaphore, #tpu.memory_space<semaphore_mem>>)
    }
    %scan3A_51 = arith.constant 23 : i32
    %dma_wait3A_52 = arith.constant 0 : i32
    %dma_wait3A_53 = tpu.memref_slice %arg5[%dma_wait3A_52] : memref<6400xi32, #tpu.memory_space<vmem>> -> memref<128xi32, #tpu.memory_space<vmem>>
    %dma_wait3A_54 = arith.constant 0 : i32
    %dma_wait3A_55 = arith.constant 0 : i32
    %dma_wait3A_56 = tpu.memref_slice %arg2[%dma_wait3A_54, %dma_wait3A_55] : memref<1000000x64xf32, #tpu.memory_space<hbm>> -> memref<1000000x64xf32, #tpu.memory_space<hbm>>
    tpu.wait_indirect_dma semaphore(%arg10 : memref<!tpu.dma_semaphore, #tpu.memory_space<semaphore_mem>>) src(%dma_wait3A_56 : memref<1000000x64xf32, #tpu.memory_space<hbm>>) dst(%arg6 : memref<128x64xf32, #tpu.memory_space<vmem>>)
    %dma_wait3A_57 = arith.constant 0 : i32
    %dma_wait3A_58 = arith.constant 0 : i32
    %dma_wait3A_59 = tpu.memref_slice %arg4[%dma_wait3A_57, %dma_wait3A_58] : memref<204800x64xf32, #tpu.memory_space<hbm>> -> memref<128x64xf32, #tpu.memory_space<hbm>>
    %dma_wait3A_60 = arith.constant 0 : i32
    %dma_wait3A_61 = arith.constant 0 : i32
    %dma_wait3A_62 = tpu.memref_slice %arg4[%dma_wait3A_60, %dma_wait3A_61] : memref<204800x64xf32, #tpu.memory_space<hbm>> -> memref<128x64xf32, #tpu.memory_space<hbm>>
    tpu.wait_dma2 semaphore(%arg12 : memref<!tpu.dma_semaphore, #tpu.memory_space<semaphore_mem>>) src(%arg8 : memref<128x64xf32, #tpu.memory_space<vmem>>) dst(%dma_wait3A_62 : memref<128x64xf32, #tpu.memory_space<hbm>>)
    %parallel_loop3A_63 = arith.constant 0 : i32
    %parallel_loop3A_64 = arith.constant 128 : i32
    %parallel_loop3A_65 = arith.constant 1 : i32
    scf.for %parallel_loop3A_104 = %parallel_loop3A_63 to %parallel_loop3A_64 step %parallel_loop3A_65  : i32 {
      %parallel_loop3A_105 = arith.index_cast %parallel_loop3A_104 : i32 to index
      %parallel_loop3A_106 = arith.constant 0 : index
      %parallel_loop3A_107 = tpu.vector_load %arg6[%parallel_loop3A_105, %parallel_loop3A_106] {strides = array<i32>} : memref<128x64xf32, #tpu.memory_space<vmem>>, vector<1x16xf32>,
      %parallel_loop3A_108 = vector.shape_cast %parallel_loop3A_107 : vector<1x16xf32> to vector<16xf32>
      %parallel_loop3A_109 = arith.constant 8.000000e+00 : f32
      %parallel_loop3A_110 = vector.broadcast %parallel_loop3A_109 : f32 to vector<16xf32>
      %parallel_loop3A_111 = arith.mulf %parallel_loop3A_108, %parallel_loop3A_110 : vector<16xf32>
      %parallel_loop3A_112 = arith.index_cast %parallel_loop3A_104 : i32 to index
      %parallel_loop3A_113 = arith.constant 0 : index
      %parallel_loop3A_114 = tpu.vector_load %arg8[%parallel_loop3A_112, %parallel_loop3A_113] {strides = array<i32>} : memref<128x64xf32, #tpu.memory_space<vmem>>, vector<1x16xf32>,
      %parallel_loop3A_115 = vector.shape_cast %parallel_loop3A_114 : vector<1x16xf32> to vector<16xf32>
      %parallel_loop3A_116 = vector.shape_cast %parallel_loop3A_111 : vector<16xf32> to vector<1x16xf32>
      tpu.vector_store %arg8[%parallel_loop3A_112, %parallel_loop3A_113], %parallel_loop3A_116 {strides = array<i32>} : memref<128x64xf32, #tpu.memory_space<vmem>>, vector<1x16xf32>,
      %parallel_loop3A_117 = arith.index_cast %parallel_loop3A_104 : i32 to index
      %parallel_loop3A_118 = arith.constant 16 : index
      %parallel_loop3A_119 = tpu.vector_load %arg6[%parallel_loop3A_117, %parallel_loop3A_118] {strides = array<i32>} : memref<128x64xf32, #tpu.memory_space<vmem>>, vector<1x16xf32>,
      %parallel_loop3A_120 = vector.shape_cast %parallel_loop3A_119 : vector<1x16xf32> to vector<16xf32>
      %parallel_loop3A_121 = arith.constant 8.000000e+00 : f32
      %parallel_loop3A_122 = vector.broadcast %parallel_loop3A_121 : f32 to vector<16xf32>
      %parallel_loop3A_123 = arith.mulf %parallel_loop3A_120, %parallel_loop3A_122 : vector<16xf32>
      %parallel_loop3A_124 = arith.index_cast %parallel_loop3A_104 : i32 to index
      %parallel_loop3A_125 = arith.constant 16 : index
      %parallel_loop3A_126 = tpu.vector_load %arg8[%parallel_loop3A_124, %parallel_loop3A_125] {strides = array<i32>} : memref<128x64xf32, #tpu.memory_space<vmem>>, vector<1x16xf32>,
      %parallel_loop3A_127 = vector.shape_cast %parallel_loop3A_126 : vector<1x16xf32> to vector<16xf32>
      %parallel_loop3A_128 = vector.shape_cast %parallel_loop3A_123 : vector<16xf32> to vector<1x16xf32>
      tpu.vector_store %arg8[%parallel_loop3A_124, %parallel_loop3A_125], %parallel_loop3A_128 {strides = array<i32>} : memref<128x64xf32, #tpu.memory_space<vmem>>, vector<1x16xf32>,
      %parallel_loop3A_129 = arith.index_cast %parallel_loop3A_104 : i32 to index
      %parallel_loop3A_130 = arith.constant 32 : index
      %parallel_loop3A_131 = tpu.vector_load %arg6[%parallel_loop3A_129, %parallel_loop3A_130] {strides = array<i32>} : memref<128x64xf32, #tpu.memory_space<vmem>>, vector<1x16xf32>,
      %parallel_loop3A_132 = vector.shape_cast %parallel_loop3A_131 : vector<1x16xf32> to vector<16xf32>
      %parallel_loop3A_133 = arith.constant 8.000000e+00 : f32
      %parallel_loop3A_134 = vector.broadcast %parallel_loop3A_133 : f32 to vector<16xf32>
      %parallel_loop3A_135 = arith.mulf %parallel_loop3A_132, %parallel_loop3A_134 : vector<16xf32>
      %parallel_loop3A_136 = arith.index_cast %parallel_loop3A_104 : i32 to index
      %parallel_loop3A_137 = arith.constant 32 : index
      %parallel_loop3A_138 = tpu.vector_load %arg8[%parallel_loop3A_136, %parallel_loop3A_137] {strides = array<i32>} : memref<128x64xf32, #tpu.memory_space<vmem>>, vector<1x16xf32>,
      %parallel_loop3A_139 = vector.shape_cast %parallel_loop3A_138 : vector<1x16xf32> to vector<16xf32>
      %parallel_loop3A_140 = vector.shape_cast %parallel_loop3A_135 : vector<16xf32> to vector<1x16xf32>
      tpu.vector_store %arg8[%parallel_loop3A_136, %parallel_loop3A_137], %parallel_loop3A_140 {strides = array<i32>} : memref<128x64xf32, #tpu.memory_space<vmem>>, vector<1x16xf32>,
      %parallel_loop3A_141 = arith.index_cast %parallel_loop3A_104 : i32 to index
      %parallel_loop3A_142 = arith.constant 48 : index
      %parallel_loop3A_143 = tpu.vector_load %arg6[%parallel_loop3A_141, %parallel_loop3A_142] {strides = array<i32>} : memref<128x64xf32, #tpu.memory_space<vmem>>, vector<1x16xf32>,
      %parallel_loop3A_144 = vector.shape_cast %parallel_loop3A_143 : vector<1x16xf32> to vector<16xf32>
      %parallel_loop3A_145 = arith.constant 8.000000e+00 : f32
      %parallel_loop3A_146 = vector.broadcast %parallel_loop3A_145 : f32 to vector<16xf32>
      %parallel_loop3A_147 = arith.mulf %parallel_loop3A_144, %parallel_loop3A_146 : vector<16xf32>
      %parallel_loop3A_148 = arith.index_cast %parallel_loop3A_104 : i32 to index
      %parallel_loop3A_149 = arith.constant 48 : index
      %parallel_loop3A_150 = tpu.vector_load %arg8[%parallel_loop3A_148, %parallel_loop3A_149] {strides = array<i32>} : memref<128x64xf32, #tpu.memory_space<vmem>>, vector<1x16xf32>,
      %parallel_loop3A_151 = vector.shape_cast %parallel_loop3A_150 : vector<1x16xf32> to vector<16xf32>
      %parallel_loop3A_152 = vector.shape_cast %parallel_loop3A_147 : vector<16xf32> to vector<1x16xf32>
      tpu.vector_store %arg8[%parallel_loop3A_148, %parallel_loop3A_149], %parallel_loop3A_152 {strides = array<i32>} : memref<128x64xf32, #tpu.memory_space<vmem>>, vector<1x16xf32>,
    } {sc.loop_unroll_factor = 2 : i64, sc.parallel_access}
    %add3A_66 = arith.constant 6144 : i32
    %add3A_67 = arith.addi %mul3A_2, %add3A_66 : i32
    %dma_start3A_68 = arith.constant 0 : i32
    %dma_start3A_69 = tpu.memref_slice %arg4[%add3A_67, %dma_start3A_68] : memref<204800x64xf32, #tpu.memory_space<hbm>> -> memref<128x64xf32, #tpu.memory_space<hbm>>
    %dma_start3A_70 = arith.constant 0 : i32
    %dma_start3A_71 = tpu.memref_slice %arg4[%add3A_67, %dma_start3A_70] : memref<204800x64xf32, #tpu.memory_space<hbm>> -> memref<128x64xf32, #tpu.memory_space<hbm>>
    tpu.enqueue_dma source(%arg8 : memref<128x64xf32, #tpu.memory_space<vmem>>) target(%dma_start3A_71 : memref<128x64xf32, #tpu.memory_space<hbm>>) target_semaphore(%arg12 : memref<!tpu.dma_semaphore, #tpu.memory_space<semaphore_mem>>)
    %dma_wait3A_72 = arith.constant 0 : i32
    %dma_wait3A_73 = tpu.memref_slice %arg5[%dma_wait3A_72] : memref<6400xi32, #tpu.memory_space<vmem>> -> memref<128xi32, #tpu.memory_space<vmem>>
    %dma_wait3A_74 = arith.constant 0 : i32
    %dma_wait3A_75 = arith.constant 0 : i32
    %dma_wait3A_76 = tpu.memref_slice %arg2[%dma_wait3A_74, %dma_wait3A_75] : memref<1000000x64xf32, #tpu.memory_space<hbm>> -> memref<1000000x64xf32, #tpu.memory_space<hbm>>
    tpu.wait_indirect_dma semaphore(%arg11 : memref<!tpu.dma_semaphore, #tpu.memory_space<semaphore_mem>>) src(%dma_wait3A_76 : memref<1000000x64xf32, #tpu.memory_space<hbm>>) dst(%arg7 : memref<128x64xf32, #tpu.memory_space<vmem>>)
    %dma_wait3A_77 = arith.constant 0 : i32
    %dma_wait3A_78 = arith.constant 0 : i32
    %dma_wait3A_79 = tpu.memref_slice %arg4[%dma_wait3A_77, %dma_wait3A_78] : memref<204800x64xf32, #tpu.memory_space<hbm>> -> memref<128x64xf32, #tpu.memory_space<hbm>>
    %dma_wait3A_80 = arith.constant 0 : i32
    %dma_wait3A_81 = arith.constant 0 : i32
    %dma_wait3A_82 = tpu.memref_slice %arg4[%dma_wait3A_80, %dma_wait3A_81] : memref<204800x64xf32, #tpu.memory_space<hbm>> -> memref<128x64xf32, #tpu.memory_space<hbm>>
    tpu.wait_dma2 semaphore(%arg13 : memref<!tpu.dma_semaphore, #tpu.memory_space<semaphore_mem>>) src(%arg9 : memref<128x64xf32, #tpu.memory_space<vmem>>) dst(%dma_wait3A_82 : memref<128x64xf32, #tpu.memory_space<hbm>>)
    %parallel_loop3A_83 = arith.constant 0 : i32
    %parallel_loop3A_84 = arith.constant 128 : i32
    %parallel_loop3A_85 = arith.constant 1 : i32
    scf.for %parallel_loop3A_104 = %parallel_loop3A_83 to %parallel_loop3A_84 step %parallel_loop3A_85  : i32 {
      %parallel_loop3A_105 = arith.index_cast %parallel_loop3A_104 : i32 to index
      %parallel_loop3A_106 = arith.constant 0 : index
      %parallel_loop3A_107 = tpu.vector_load %arg7[%parallel_loop3A_105, %parallel_loop3A_106] {strides = array<i32>} : memref<128x64xf32, #tpu.memory_space<vmem>>, vector<1x16xf32>,
      %parallel_loop3A_108 = vector.shape_cast %parallel_loop3A_107 : vector<1x16xf32> to vector<16xf32>
      %parallel_loop3A_109 = arith.constant 8.000000e+00 : f32
      %parallel_loop3A_110 = vector.broadcast %parallel_loop3A_109 : f32 to vector<16xf32>
      %parallel_loop3A_111 = arith.mulf %parallel_loop3A_108, %parallel_loop3A_110 : vector<16xf32>
      %parallel_loop3A_112 = arith.index_cast %parallel_loop3A_104 : i32 to index
      %parallel_loop3A_113 = arith.constant 0 : index
      %parallel_loop3A_114 = tpu.vector_load %arg9[%parallel_loop3A_112, %parallel_loop3A_113] {strides = array<i32>} : memref<128x64xf32, #tpu.memory_space<vmem>>, vector<1x16xf32>,
      %parallel_loop3A_115 = vector.shape_cast %parallel_loop3A_114 : vector<1x16xf32> to vector<16xf32>
      %parallel_loop3A_116 = vector.shape_cast %parallel_loop3A_111 : vector<16xf32> to vector<1x16xf32>
      tpu.vector_store %arg9[%parallel_loop3A_112, %parallel_loop3A_113], %parallel_loop3A_116 {strides = array<i32>} : memref<128x64xf32, #tpu.memory_space<vmem>>, vector<1x16xf32>,
      %parallel_loop3A_117 = arith.index_cast %parallel_loop3A_104 : i32 to index
      %parallel_loop3A_118 = arith.constant 16 : index
      %parallel_loop3A_119 = tpu.vector_load %arg7[%parallel_loop3A_117, %parallel_loop3A_118] {strides = array<i32>} : memref<128x64xf32, #tpu.memory_space<vmem>>, vector<1x16xf32>,
      %parallel_loop3A_120 = vector.shape_cast %parallel_loop3A_119 : vector<1x16xf32> to vector<16xf32>
      %parallel_loop3A_121 = arith.constant 8.000000e+00 : f32
      %parallel_loop3A_122 = vector.broadcast %parallel_loop3A_121 : f32 to vector<16xf32>
      %parallel_loop3A_123 = arith.mulf %parallel_loop3A_120, %parallel_loop3A_122 : vector<16xf32>
      %parallel_loop3A_124 = arith.index_cast %parallel_loop3A_104 : i32 to index
      %parallel_loop3A_125 = arith.constant 16 : index
      %parallel_loop3A_126 = tpu.vector_load %arg9[%parallel_loop3A_124, %parallel_loop3A_125] {strides = array<i32>} : memref<128x64xf32, #tpu.memory_space<vmem>>, vector<1x16xf32>,
      %parallel_loop3A_127 = vector.shape_cast %parallel_loop3A_126 : vector<1x16xf32> to vector<16xf32>
      %parallel_loop3A_128 = vector.shape_cast %parallel_loop3A_123 : vector<16xf32> to vector<1x16xf32>
      tpu.vector_store %arg9[%parallel_loop3A_124, %parallel_loop3A_125], %parallel_loop3A_128 {strides = array<i32>} : memref<128x64xf32, #tpu.memory_space<vmem>>, vector<1x16xf32>,
      %parallel_loop3A_129 = arith.index_cast %parallel_loop3A_104 : i32 to index
      %parallel_loop3A_130 = arith.constant 32 : index
      %parallel_loop3A_131 = tpu.vector_load %arg7[%parallel_loop3A_129, %parallel_loop3A_130] {strides = array<i32>} : memref<128x64xf32, #tpu.memory_space<vmem>>, vector<1x16xf32>,
      %parallel_loop3A_132 = vector.shape_cast %parallel_loop3A_131 : vector<1x16xf32> to vector<16xf32>
      %parallel_loop3A_133 = arith.constant 8.000000e+00 : f32
      %parallel_loop3A_134 = vector.broadcast %parallel_loop3A_133 : f32 to vector<16xf32>
      %parallel_loop3A_135 = arith.mulf %parallel_loop3A_132, %parallel_loop3A_134 : vector<16xf32>
      %parallel_loop3A_136 = arith.index_cast %parallel_loop3A_104 : i32 to index
      %parallel_loop3A_137 = arith.constant 32 : index
      %parallel_loop3A_138 = tpu.vector_load %arg9[%parallel_loop3A_136, %parallel_loop3A_137] {strides = array<i32>} : memref<128x64xf32, #tpu.memory_space<vmem>>, vector<1x16xf32>,
      %parallel_loop3A_139 = vector.shape_cast %parallel_loop3A_138 : vector<1x16xf32> to vector<16xf32>
      %parallel_loop3A_140 = vector.shape_cast %parallel_loop3A_135 : vector<16xf32> to vector<1x16xf32>
      tpu.vector_store %arg9[%parallel_loop3A_136, %parallel_loop3A_137], %parallel_loop3A_140 {strides = array<i32>} : memref<128x64xf32, #tpu.memory_space<vmem>>, vector<1x16xf32>,
      %parallel_loop3A_141 = arith.index_cast %parallel_loop3A_104 : i32 to index
      %parallel_loop3A_142 = arith.constant 48 : index
      %parallel_loop3A_143 = tpu.vector_load %arg7[%parallel_loop3A_141, %parallel_loop3A_142] {strides = array<i32>} : memref<128x64xf32, #tpu.memory_space<vmem>>, vector<1x16xf32>,
      %parallel_loop3A_144 = vector.shape_cast %parallel_loop3A_143 : vector<1x16xf32> to vector<16xf32>
      %parallel_loop3A_145 = arith.constant 8.000000e+00 : f32
      %parallel_loop3A_146 = vector.broadcast %parallel_loop3A_145 : f32 to vector<16xf32>
      %parallel_loop3A_147 = arith.mulf %parallel_loop3A_144, %parallel_loop3A_146 : vector<16xf32>
      %parallel_loop3A_148 = arith.index_cast %parallel_loop3A_104 : i32 to index
      %parallel_loop3A_149 = arith.constant 48 : index
      %parallel_loop3A_150 = tpu.vector_load %arg9[%parallel_loop3A_148, %parallel_loop3A_149] {strides = array<i32>} : memref<128x64xf32, #tpu.memory_space<vmem>>, vector<1x16xf32>,
      %parallel_loop3A_151 = vector.shape_cast %parallel_loop3A_150 : vector<1x16xf32> to vector<16xf32>
      %parallel_loop3A_152 = vector.shape_cast %parallel_loop3A_147 : vector<16xf32> to vector<1x16xf32>
      tpu.vector_store %arg9[%parallel_loop3A_148, %parallel_loop3A_149], %parallel_loop3A_152 {strides = array<i32>} : memref<128x64xf32, #tpu.memory_space<vmem>>, vector<1x16xf32>,
    } {sc.loop_unroll_factor = 2 : i64, sc.parallel_access}
    %add3A_86 = arith.constant 6272 : i32
    %add3A_87 = arith.addi %mul3A_2, %add3A_86 : i32
    %dma_start3A_88 = arith.constant 0 : i32
    %dma_start3A_89 = tpu.memref_slice %arg4[%add3A_87, %dma_start3A_88] : memref<204800x64xf32, #tpu.memory_space<hbm>> -> memref<128x64xf32, #tpu.memory_space<hbm>>
    %dma_start3A_90 = arith.constant 0 : i32
    %dma_start3A_91 = tpu.memref_slice %arg4[%add3A_87, %dma_start3A_90] : memref<204800x64xf32, #tpu.memory_space<hbm>> -> memref<128x64xf32, #tpu.memory_space<hbm>>
    tpu.enqueue_dma source(%arg9 : memref<128x64xf32, #tpu.memory_space<vmem>>) target(%dma_start3A_91 : memref<128x64xf32, #tpu.memory_space<hbm>>) target_semaphore(%arg13 : memref<!tpu.dma_semaphore, #tpu.memory_space<semaphore_mem>>)
    %dma_wait3A_92 = arith.constant 0 : i32
    %dma_wait3A_93 = arith.constant 0 : i32
    %dma_wait3A_94 = tpu.memref_slice %arg4[%dma_wait3A_92, %dma_wait3A_93] : memref<204800x64xf32, #tpu.memory_space<hbm>> -> memref<128x64xf32, #tpu.memory_space<hbm>>
    %dma_wait3A_95 = arith.constant 0 : i32
    %dma_wait3A_96 = arith.constant 0 : i32
    %dma_wait3A_97 = tpu.memref_slice %arg4[%dma_wait3A_95, %dma_wait3A_96] : memref<204800x64xf32, #tpu.memory_space<hbm>> -> memref<128x64xf32, #tpu.memory_space<hbm>>
    tpu.wait_dma2 semaphore(%arg12 : memref<!tpu.dma_semaphore, #tpu.memory_space<semaphore_mem>>) src(%arg8 : memref<128x64xf32, #tpu.memory_space<vmem>>) dst(%dma_wait3A_97 : memref<128x64xf32, #tpu.memory_space<hbm>>)
    %dma_wait3A_98 = arith.constant 0 : i32
    %dma_wait3A_99 = arith.constant 0 : i32
    %dma_wait3A_100 = tpu.memref_slice %arg4[%dma_wait3A_98, %dma_wait3A_99] : memref<204800x64xf32, #tpu.memory_space<hbm>> -> memref<128x64xf32, #tpu.memory_space<hbm>>
    %dma_wait3A_101 = arith.constant 0 : i32
    %dma_wait3A_102 = arith.constant 0 : i32
    %dma_wait3A_103 = tpu.memref_slice %arg4[%dma_wait3A_101, %dma_wait3A_102] : memref<204800x64xf32, #tpu.memory_space<hbm>> -> memref<128x64xf32, #tpu.memory_space<hbm>>
    tpu.wait_dma2 semaphore(%arg13 : memref<!tpu.dma_semaphore, #tpu.memory_space<semaphore_mem>>) src(%arg9 : memref<128x64xf32, #tpu.memory_space<vmem>>) dst(%dma_wait3A_103 : memref<128x64xf32, #tpu.memory_space<hbm>>)
    return
  }
}

</mosaic_0001>

<sc_bundles>
// kernel: _embed.3.cloned.1.call-start
scs
__scs_entry_jumppad:
0x0: {  	(pc) =	sbr.rel $0x88, $3  }
0x1: {  	(tag) =	ssettag $0x0;
	lr =	simm.s32 $0x1  }
0x2: {  	[smem:$0x3F9F] =	sst lr;
	_ =	strace $0xD0000000  }
0x3: {  	_ = 	snop  }
0x4: {  	_ = 	snop  }
0x5: {  	_ = 	snop  }
0x6: {  	_ = 	snop  }
0x7: {  	_ = 	snop  }
__scs_overlays_trampoline_lowered:
0x8: {  	[smem:$0x3FAE] =	sst s0  }
0x9: {  	[smem:$0x3FAF] =	sst s1  }
0xa: {  	[smem:$0x3FB0] =	sst s2  }
0xb: {  	[smem:$0x3FB1] =	sst s3  }
0xc: {  	[smem:$0x3FB2] =	sst s4  }
0xd: {  	[smem:$0x3FB3] =	sst s5  }
0xe: {  	[smem:$0x3FB4] =	sst s6  }
0xf: {  	[smem:$0x3FB5] =	sst s7  }
0x10: {  	[smem:$0x3FB6] =	sst s8  }
0x11: {  	[smem:$0x3FB7] =	sst s9;
	s0 =	simm.s32 @!p0 $0x0  }
0x12: {  	s1 =	sld [smem:$0x3F9D];
	s0 =	simm.s32 @p0 $0x1  }
0x13: {  	[smem:$0x3FB8] =	sst s0;
	s0 =	simm.s32 @!p1 $0x0  }
0x14: {  	s2 =	sld [smem:$0x3F9C];
	s0 =	simm.s32 @p1 $0x1  }
0x15: {  	[smem:$0x3FB9] =	sst s0;
	s0 =	simm.s32 @!p2 $0x0  }
0x16: {  	s3 =	sld [smem:$0x3FDB];
	s0 =	simm.s32 @p2 $0x1  }
0x17: {  	s4 =	simm.s32 $0x1BF5;
	[smem:$0x3FBB] =	sst s0  }
0x18: {  	s0 =	sld [smem:$0x3F9E];
	_ =	swait.ge [sflag:s4], $0x0  }
0x19: {  	s7 =	sld [smem:$0x3F9F]  }
0x1a: {  	s8 =	sadd.s32 $0xFFFFE003, lr  }
0x1b: {  	s9 =	sadd.s32 $0xFFFFFEF7, lr;
	s5 =	simm.s32 $0xFFFFFFFF;
	p2 =	slt.u32 s8, $0xFFFFF086  }
0x1c: {  	p1 =	slt.u32 s9, $0xF7A;
	s5 =	simm.s32 @!p2 $0x0  }
0x1d: {  	s5 =	simm.s32 @p1 $0x1;
	p0 =	seq.s32 s7, s2  }
0x1e: {  	s7 =	smul.u32 @!p0 $0xF7A, s2;
	p2 =	seq.s32 @!p0 s5, $0x0  }
0x1f: {  	s9 =	smul.u32 $0xF7A, s1;
	s8 =	simm.s32 @!p0 $0x1BF5;
	p2 =	por !p2, p0  }
0x20: {  	[sflag:s8] =	ssyncset.s32 @!p0 $0xFFFFF086;
	s6 =	sadd.s32 @!p0 s3, s7;
	s7 =	simm.s32 @!p0 $0x108  }
0x21: {  	s3 =	sadd.s32 s3, s9;
	s6 =	sadd.s32 @!p0 $0x88, s6;
	s7 =	simm.s32 @p2 $0x1082  }
0x22: {  	[simem:s7], [sflag:s8] =	dma.local @!p0 [hbm:s6], $0xF7A  }
0x23: {  	s9 =	sor.u32 $0xD0000000, s2;
	s6 =	simm.s32 $0x108;
	_ =	swait.ge @!p0 [sflag:s8], $0x0  }
0x24: {  	s3 =	sadd.s32 $0x88, s3;
	s6 =	simm.s32 @!p1 $0x1082;
	[sflag:s4] =	ssyncset.s32 $0xFFFFF086  }
0x25: {  	[simem:s6], [sflag:s4] =	dma.local [hbm:s3], $0xF7A  }
0x26: {  	[smem:$0x3F9F] =	sst s1;
	(tag) =	ssettag s2;
	_ =	strace s9  }
0x27: {  	s1 =	sld [smem:$0x3FAF]  }
0x28: {  	s2 =	sld [smem:$0x3FB0]  }
0x29: {  	s4 =	sld [smem:$0x3FB2]  }
0x2a: {  	p0 =	seq.s32 s5, $0x0;
	s5 =	sld [smem:$0x3FB3]  }
0x2b: {  	s6 =	sld [smem:$0x3FB4]  }
0x2c: {  	s7 =	sld [smem:$0x3FB5]  }
0x2d: {  	s3 =	simm.s32 $0x108;
	s8 =	sld [smem:$0x3FB6]  }
0x2e: {  	s3 =	simm.s32 @!p0 $0x1082;
	s9 =	sld [smem:$0x3FB7]  }
0x2f: {  	lr =	sadd.s32 s0, s3;
	s0 =	sld [smem:$0x3FAE]  }
0x30: {  	s3 =	sld [smem:$0x3FB1]  }
0x31: {  	[smem:$0x3FBA] =	sst s10  }
0x32: {  	s10 =	sld [smem:$0x3FB8];
	_ =	sdelay $0x3  }
0x33: {  	p0 =	seq.s32 s10, $0x1;
	s10 =	sld [smem:$0x3FBA];
	_ =	sdelay $0x3  }
0x34: {  	[smem:$0x3FBA] =	sst s10  }
0x35: {  	s10 =	sld [smem:$0x3FB9];
	_ =	sdelay $0x3  }
0x36: {  	p1 =	seq.s32 s10, $0x1;
	s10 =	sld [smem:$0x3FBA];
	_ =	sdelay $0x3  }
0x37: {  	[smem:$0x3FBA] =	sst s10  }
0x38: {  	s10 =	sld [smem:$0x3FBB]  }
0x39: {  	_ = 	snop;
	(pc) =	sbr.ind lr, $3  }
0x3a: {  	_ = 	snop  }
0x3b: {  	_ = 	snop  }
0x3c: {  	p2 =	seq.s32 s10, $0x1;
	s10 =	sld [smem:$0x3FBA]  }
0x3d: {  	_ =	shalt  }
0x3e: {  	_ =	shalt  }
0x3f: {  	_ =	shalt  }
0x40: {  	_ =	shalt  }
0x41: {  	_ =	shalt  }
0x42: {  	_ =	shalt  }
0x43: {  	_ =	shalt  }
0x44: {  	_ =	shalt  }
0x45: {  	_ =	shalt  }
0x46: {  	_ =	shalt  }
0x47: {  	_ =	shalt  }
0x48: {  	_ =	shalt  }
0x49: {  	_ =	shalt  }
0x4a: {  	_ =	shalt  }
0x4b: {  	_ =	shalt  }
0x4c: {  	_ =	shalt  }
0x4d: {  	_ =	shalt  }
0x4e: {  	_ =	shalt  }
0x4f: {  	_ =	shalt  }
0x50: {  	_ =	shalt  }
0x51: {  	_ =	shalt  }
0x52: {  	_ =	shalt  }
0x53: {  	_ =	shalt  }
0x54: {  	_ =	shalt  }
0x55: {  	_ =	shalt  }
0x56: {  	_ =	shalt  }
0x57: {  	_ =	shalt  }
0x58: {  	_ =	shalt  }
0x59: {  	_ =	shalt  }
0x5a: {  	_ =	shalt  }
0x5b: {  	_ =	shalt  }
0x5c: {  	_ =	shalt  }
0x5d: {  	_ =	shalt  }
0x5e: {  	_ =	shalt  }
0x5f: {  	_ =	shalt  }
0x60: {  	_ =	shalt  }
0x61: {  	_ =	shalt  }
0x62: {  	_ =	shalt  }
0x63: {  	_ =	shalt  }
0x64: {  	_ =	shalt  }
0x65: {  	_ =	shalt  }
0x66: {  	_ =	shalt  }
0x67: {  	_ =	shalt  }
0x68: {  	_ =	shalt  }
0x69: {  	_ =	shalt  }
0x6a: {  	_ =	shalt  }
0x6b: {  	_ =	shalt  }
0x6c: {  	_ =	shalt  }
0x6d: {  	_ =	shalt  }
0x6e: {  	_ =	shalt  }
0x6f: {  	_ =	shalt  }
0x70: {  	_ =	shalt  }
0x71: {  	_ =	shalt  }
0x72: {  	_ =	shalt  }
0x73: {  	_ =	shalt  }
0x74: {  	_ =	shalt  }
0x75: {  	_ =	shalt  }
0x76: {  	_ =	shalt  }
0x77: {  	_ =	shalt  }
0x78: {  	_ =	shalt  }
0x79: {  	_ =	shalt  }
0x7a: {  	_ =	shalt  }
0x7b: {  	_ =	shalt  }
0x7c: {  	_ =	shalt  }
0x7d: {  	_ =	shalt  }
0x7e: {  	_ =	shalt  }
0x7f: {  	_ =	shalt  }
0x80: {  	_ =	shalt  }
0x81: {  	_ =	shalt  }
0x82: {  	_ =	shalt  }
0x83: {  	_ =	shalt  }
0x84: {  	_ =	shalt  }
0x85: {  	_ =	shalt  }
0x86: {  	_ =	shalt  }
0x87: {  	_ =	shalt  }
.Lfunc_end0:
.L_simem_size_0:
called_computation.1_lowered:
.L_overlay_start_0:
0x88: {  	s2 =	sld [smem:$0x3FD9]  }
0x89: {  	s3 =	sld [smem:$0x3FFE];
	_ =	sdelay $0x1  }
0x8a: {  	s1 =	srdreg.scid  }
0x8b: {  	s0 =	sand.u32 $0x1, s1  }
0x8c: {  	s17 =	sshll.u32 s0, $0xA;
	s2 =	sadd.s32 s3, s2  }
0x8d: {  	s2 =	sadd.s32 s2, s17  }
0x8e: {  	[smem:$0x3FC6] =	sst s2  }
0x8f: {  	_ = 	snop  }
0x90: {  	s2 =	sld [smem:$0x3FC8]  }
0x91: {  	s18 =	sld [smem:$0x3FD0];
	(tm) =	ssettm $0x1  }
0x92: {  	s4 =	sld [smem:$0x3FFB];
	_ =	sdelay $0x3  }
0x93: {  	_ =	strace s4  }
0x94: {  	s4 =	sld [smem:$0x3FFC];
	_ =	sdelay $0x3  }
0x95: {  	_ =	strace s4  }
0x96: {  	s4 =	sld [smem:$0x3FFD];
	_ =	sdelay $0x3  }
0x97: {  	_ =	strace s4  }
0x98: {  	_ =	strace $0x8FFFFFFF  }
0x99: {  	s19 =	sld [smem:$0x3FDB];
	_ =	sdelay $0x1  }
0x9a: {  	s5 =	simm.s32 $_scs_section_size  }
0x9b: {  	s6 =	simm.s32 $_size__tile_overlayer_lowered;
	s7 =	simm.s32 $_tile_overlayer_lowered  }
0x9c: {  	s22 =	simm.s32 $0x1BFF;
	s21 =	sshll.u32 s7, $0x1;
	s4 =	sadd.s32 s5, s19  }
0x9d: {  	s8 =	simm.s32 $0x0;
	s20 =	sshll.u32 s6, $0x1;
	s6 =	sadd.s32 s21, s4  }
0x9e: {  	[timem:s8], [sflag:s22] =	dma.local [hbm:s6], s20  }
0x9f: {  	_ =	swait.ge [sflag:s22], s20  }
0xa0: {  	s5 =	ssub.s32 $0x0, s20;
	[sflag:s22] =	ssyncset.done $0x0  }
0xa1: {  	[sflag:s22] =	ssyncadd.s32 s5;
	_ =	sdelay $0x1  }
0xa2: {  	s23 =	simm.s32 $0x1B8B  }
0xa3: {  	_ =	swait.ge [sflag:s23], $0x1  }
0xa4: {  	[sflag:s23] =	ssyncset.done $0x0  }
0xa5: {  	s25 =	simm.s32 $0x1B8E;
	s24 =	sld [smem:$0x3FFE];
	[sflag:s23] =	ssyncadd.s32 $0xFFFFFFFF  }
0xa6: {  	s26 =	simm.s32 $execute0_lowered;
	[smem:$0x3FD2] =	sst s25  }
0xa7: {  	s6 =	sshll.u32 s26, $0x1;
	_ =	strace $0x80000046;
	[dreg:$0x1] =	wrdreg $0xFFFFFFFF  }
0xa8: {  	s28 =	simm.s32 $_size_execute0_lowered;
	s4 =	sadd.s32 s4, s6;
	[dreg:$0x0] =	wrdreg $0x0  }
0xa9: {  	s6 =	sshll.u32 s28, $0x1;
	[dreg:$0x2] =	wrdreg s4  }
0xaa: {  	[dreg:$0x3] =	wrdreg s6  }
0xab: {  	[dreg:$0x4] =	wrdreg $0xC0  }
0xac: {  	_ =	task [dreg:s8], $0x5FFFF  }
0xad: {  	[dreg:$0x1] =	wrdreg $0xFFFFFFFF  }
0xae: {  	[dreg:$0x0] =	wrdreg $0x60  }
0xaf: {  	[dreg:$0x2] =	wrdreg s24  }
0xb0: {  	[dreg:$0x3] =	wrdreg s2  }
0xb1: {  	[dreg:$0x4] =	wrdreg s18  }
0xb2: {  	[dreg:$0x5] =	wrdreg $0x9  }
0xb3: {  	_ =	task.clear_ibuf [dreg:s8], $0x6FFFF;
	_ =	strace $0x90000046  }
0xb4: {  	s29 =	simm.s32 $0x9;
	_ =	strace $0x80000048  }
0xb5: {  	_ =	swait.ge [sflag:s29], $0x1  }
0xb6: {  	[sflag:s29] =	ssyncadd.s32 $0xFFFFFFFF  }
0xb7: {  	_ =	strace $0x90000048  }
0xb8: {  	_ =	sfence  }
0xb9: {  	s30 =	sld [smem:$0x0];
	_ =	sdelay $0x2  }
0xba: {  	s31 =	sshll.u32 s1, $0xD;
	s1 =	sshrl.u32 s1, $0x2  }
0xbb: {  	s3 =	sand.u32 $0x4000, s31;
	s1 =	sadd.s32 s1, s30  }
0xbc: {  	s0 =	sor.u32 s3, s0;
	s1 =	sshll.u32 s1, $0x11  }
0xbd: {  	s0 =	sor.u32 s1, s0  }
0xbe: {  	s0 =	sadd.s32 $0x8F2B, s0  }
0xbf: {  	[sflag:s0] =	ssyncadd.remote.s32 $0x1  }
0xc0: {  	_ =	sfence.sel $0xFFFF  }
0xc1: {  	[dreg:$0x0] =	wrdreg $0xFFFFFFFF;
	(pc) =	sbr.abs _section_cstart, $3  }
0xc2: {  	[dreg:$0x1] =	wrdreg $0xFFFFFFFF  }
0xc3: {  	_ =	task.clear_ibuf [dreg:s8], $0x2FFFF;
	_ =	strace $0x9FFFFFFF  }
0xc4: {  	(tm) =	ssettm $0x7FFFFFFF  }
0xc5: {  	_ =	shalt  }
tec
execute0_lowered:
.L_overlay_start_1:
0x0: {  	(tag) =	ssettag $0x1  }
0x1: {  	s0 =	rddreg [dreg:$0x0]  }
0x2: {  	s1 =	srdreg.scid;
	s2 =	stileid.u32  }
0x3: {  	s6 =	rddreg [dreg:$0x1];
	s13 =	simm.s32 $0x5;
	s14 =	simm.s32 $0x80  }
0x4: {  	s15 =	simm.s32 $0x1900;
	s16 =	simm.s32 $0x3900;
	s17 =	simm.s32 $0x1  }
0x5: {  	s18 =	simm.s32 $0x5900;
	s1 =	sand.u32 $0x1, s1;
	s3 =	sshll.u32 s2, $0x1  }
0x6: {  	s20 =	simm.s32 $0x2;
	s21 =	simm.s32 $0x7900;
	s4 =	sor.u32 s1, s3  }
0x7: {  	s23 =	simm.s32 $0x3;
	s2 =	rddreg [dreg:$0x2];
	s7 =	smul.u32 $0x1900, s4  }
0x8: {  	s3 =	simm.s32 $0x0;
	s1 =	ssub.s32 $0x2, s1;
	s5 =	smul.u32 $0xC800, s4  }
0x9: {  	[smem:$0x7FF] =	sst s3;
	s8 =	sshrl.u32 s1, $0x1;
	s9 =	smul.u32 $0x64000, s4  }
0xa: {  	s4 =	sadd.s32 $0xF42C00, s0;
	_ =	strace $0x80000047;
	s25 =	ssub.s32 s1, s8  }
0xb: {  	s26 =	sshrl.u32 s7, $0x3;
	s5 =	sadd.s32 s2, s5;
	s0 =	smax.u32 s25, $0x1  }
0xc: {  	s28 =	sshrl.u32 s9, $0x3;
	s1 =	sadd.s32 s6, s26;
	[dreg:$0x8] =	wrdreg s0  }
0xd: {  	s29 =	sadd.s32 $0x400, s5;
	s30 =	sadd.s32 s2, s28;
	[dreg:$0x4] =	wrdreg s1  }
0xe: {  	s24 =	simm.s32 $0x4;
	[dreg:$0x5] =	wrdreg s29;
	s31 =	sadd.s32 $0xC000, s30  }
0xf: {  	s8 =	sadd.s32 $0x100, s7;
	s1 =	sadd.s32 $0xC400, s30;
	[dreg:$0x6] =	wrdreg s31  }
0x10: {  	s9 =	sadd.s32 $0x180, s7;
	s25 =	simm.s32 $0x0;
	[dreg:$0x7] =	wrdreg s1  }
.LBB2_1:
0x11: {  	s0 =	rddreg [dreg:$0x4]  }
0x12: {  	[tilespmem:s3], [sflag:$0x5] =	stream.linear.gather [hbm4b:s0+s3], $0x1900, $0x38;
	[tilespmem:$0x9900] =	vst v63  }
0x13: {  	_ =	swait.ge [sflag:s13], $0x1900  }
0x14: {  	[sflag:s13] =	ssyncset.done $0x0  }
0x15: {  	[sflag:s13] =	ssyncadd.s32 $0xFFFFE700  }
0x16: {  	[tilespmem:s15], [sflag:$0x1] =	stream.indirect.gather [hbm4b:s4+s14], $0x40, s3, s14, $0xb8;
	[tilespmem:$0x9900] =	vst v63  }
0x17: {  	_ = 	snop  }
0x18: {  	[tilespmem:s16], [sflag:$0x2] =	stream.indirect.gather [hbm4b:s4+s14], $0x40, s14, s14, $0xb8;
	[tilespmem:$0x9900] =	vst v63  }
0x19: {  	_ =	swait.ge [sflag:s17], $0x2000  }
0x1a: {  	[sflag:s17] =	ssyncset.done $0x0  }
0x1b: {  	s6 =	simm.s32 $0x1940;
	[sflag:s17] =	ssyncadd.s32 $0xFFFFE000  }
0x1c: {  	v0 =	vld [tilespmem:s6+$0x0];
	_ =	sdelay $0x3  }
0x1d: {  	v1 =	vld [tilespmem:s6+$0xFFFFFFC0]  }
0x1e: {  	v0 =	vmul.f32 $8.000000000e+00, v0  }
0x1f: {  	s26 =	simm.s32 $0x5940;
	s29 =	simm.s32 $0x19C0  }
0x20: {  	[tilespmem:s26+$0x0] =	vst v0;
	v0 =	vld [tilespmem:s29+$0x0]  }
0x21: {  	v2 =	vld [tilespmem:s6+$0x10]  }
0x22: {  	v1 =	vmul.f32 $8.000000000e+00, v1;
	_ =	sdelay $0x1  }
0x23: {  	[tilespmem:s26+$0xFFFFFFC0] =	vst v1;
	v1 =	vld [tilespmem:s29+$0xFFFFFFC0]  }
0x24: {  	v3 =	vld [tilespmem:s6+$0xFFFFFFD0];
	v0 =	vmul.f32 $8.000000000e+00, v0  }
0x25: {  	s28 =	simm.s32 $0x59C0;
	s1 =	simm.s32 $0x1A40;
	v2 =	vmul.f32 $8.000000000e+00, v2  }
0x26: {  	[tilespmem:s28+$0x0] =	vst v0;
	v0 =	vld [tilespmem:s1+$0x0]  }
0x27: {  	[tilespmem:s26+$0x10] =	vst v2;
	v2 =	vld [tilespmem:s29+$0x10]  }
0x28: {  	v1 =	vmul.f32 $8.000000000e+00, v1;
	v4 =	vld [tilespmem:s6+$0x20]  }
0x29: {  	v3 =	vmul.f32 $8.000000000e+00, v3  }
0x2a: {  	[tilespmem:s28+$0xFFFFFFC0] =	vst v1;
	v1 =	vld [tilespmem:s1+$0xFFFFFFC0]  }
0x2b: {  	[tilespmem:s26+$0xFFFFFFD0] =	vst v3;
	v3 =	vld [tilespmem:s29+$0xFFFFFFD0];
	v0 =	vmul.f32 $8.000000000e+00, v0  }
0x2c: {  	s19 =	simm.s32 $0x1AC0;
	s0 =	simm.s32 $0x5A40;
	v5 =	vld [tilespmem:s6+$0xFFFFFFE0];
	v2 =	vmul.f32 $8.000000000e+00, v2  }
0x2d: {  	[tilespmem:s0+$0x0] =	vst v0;
	v0 =	vmul.f32 $8.000000000e+00, v4;
	v4 =	vld [tilespmem:s19+$0x0]  }
0x2e: {  	[tilespmem:s28+$0x10] =	vst v2;
	v6 =	vld [tilespmem:s1+$0x10]  }
0x2f: {  	v1 =	vmul.f32 $8.000000000e+00, v1;
	[tilespmem:s26+$0x20] =	vst v0;
	v7 =	vld [tilespmem:s29+$0x20]  }
0x30: {  	v2 =	vmul.f32 $8.000000000e+00, v3;
	v0 =	vld [tilespmem:s6+$0x30]  }
0x31: {  	[tilespmem:s0+$0xFFFFFFC0] =	vst v1;
	v1 =	vmul.f32 $8.000000000e+00, v5;
	v3 =	vld [tilespmem:s19+$0xFFFFFFC0]  }
0x32: {  	[tilespmem:s28+$0xFFFFFFD0] =	vst v2;
	v5 =	vmul.f32 $8.000000000e+00, v4;
	v4 =	vld [tilespmem:s1+$0xFFFFFFD0]  }
0x33: {  	s22 =	simm.s32 $0x5AC0;
	[tilespmem:s26+$0xFFFFFFE0] =	vst v1;
	v2 =	vld [tilespmem:s29+$0xFFFFFFE0];
	v6 =	vmul.f32 $8.000000000e+00, v6  }
0x34: {  	s7 =	simm.s32 $0x6;
	s10 =	simm.s32 $0x1B40;
	v1 =	vld [tilespmem:s6+$0xFFFFFFF0];
	s6 =	simm.s32 $0x5AC0;
	[tilespmem:s22+$0x0] =	vst v5;
	v5 =	vmul.f32 $8.000000000e+00, v7  }
.LBB2_2:
0x35: {  	v7 =	vld [tilespmem:s10+$0x0];
	[tilespmem:s0+$0x10] =	vst v6;
	v0 =	vmul.f32 $8.000000000e+00, v0;
	s11 =	smov.u32 s29;
	s29 =	smov.u32 s1;
	s1 =	smov.u32 s19  }
0x36: {  	s19 =	smov.u32 s10;
	s7 =	sadd.s32 $0x2, s7;
	v3 =	vmul.f32 $8.000000000e+00, v3;
	v6 =	vld [tilespmem:s1+$0x10];
	[tilespmem:s28+$0x20] =	vst v5  }
0x37: {  	p0 =	slt.u32 s7, $0x7E;
	v4 =	vmul.f32 $8.000000000e+00, v4;
	v5 =	vld [tilespmem:s29+$0x20];
	[tilespmem:s26+$0x30] =	vst v0  }
.Ltmp0:
0x38: {  	[tilespmem:s22+$0xFFFFFFC0] =	vst v3;
	v2 =	vmul.f32 $8.000000000e+00, v2;
	v0 =	vld [tilespmem:s11+$0x30];
	(pc) =	sbr.rel @p0 .LBB2_2-.Ltmp0, $4  }
0x39: {  	v3 =	vld [tilespmem:s10+$0xFFFFFFC0];
	[tilespmem:s0+$0xFFFFFFD0] =	vst v4;
	v1 =	vmul.f32 $8.000000000e+00, v1  }
0x3a: {  	v7 =	vmul.f32 $8.000000000e+00, v7;
	v4 =	vld [tilespmem:s1+$0xFFFFFFD0];
	[tilespmem:s28+$0xFFFFFFE0] =	vst v2  }
0x3b: {  	s22 =	sadd.s32 $0x80, s22;
	v6 =	vmul.f32 $8.000000000e+00, v6;
	v2 =	vld [tilespmem:s29+$0xFFFFFFE0];
	[tilespmem:s26+$0xFFFFFFF0] =	vst v1;
	s26 =	smov.u32 s28;
	s28 =	smov.u32 s0  }
0x3c: {  	s10 =	sadd.s32 $0x80, s10;
	s0 =	smov.u32 s6;
	s6 =	smov.u32 s22;
	[tilespmem:s22+$0x0] =	vst v7;
	v5 =	vmul.f32 $8.000000000e+00, v5;
	v1 =	vld [tilespmem:s11+$0xFFFFFFF0]  }
0x3d: {  	_ = 	snop  }
0x3e: {  	v3 =	vmul.f32 $8.000000000e+00, v3;
	_ =	sdelay $0x1  }
0x3f: {  	v7 =	vld [tilespmem:s19+$0x10];
	[tilespmem:s22+$0xFFFFFFC0] =	vst v3  }
0x40: {  	v3 =	vld [tilespmem:s19+$0xFFFFFFD0];
	_ =	sdelay $0x2  }
0x41: {  	v4 =	vmul.f32 $8.000000000e+00, v4  }
0x42: {  	[tilespmem:s0+$0x10] =	vst v6;
	v6 =	vmul.f32 $8.000000000e+00, v7  }
0x43: {  	[tilespmem:s0+$0xFFFFFFD0] =	vst v4;
	v7 =	vld [tilespmem:s1+$0x20];
	v3 =	vmul.f32 $8.000000000e+00, v3  }
0x44: {  	v4 =	vld [tilespmem:s1+$0xFFFFFFE0];
	[tilespmem:s6+$0x10] =	vst v6  }
0x45: {  	v6 =	vld [tilespmem:s19+$0x20];
	[tilespmem:s6+$0xFFFFFFD0] =	vst v3  }
0x46: {  	v3 =	vld [tilespmem:s19+$0xFFFFFFE0]  }
0x47: {  	v2 =	vmul.f32 $8.000000000e+00, v2  }
0x48: {  	[tilespmem:s28+$0x20] =	vst v5;
	v5 =	vmul.f32 $8.000000000e+00, v7  }
0x49: {  	[tilespmem:s28+$0xFFFFFFE0] =	vst v2;
	v2 =	vld [tilespmem:s29+$0x30];
	v4 =	vmul.f32 $8.000000000e+00, v4  }
0x4a: {  	[tilespmem:s0+$0x20] =	vst v5;
	v5 =	vld [tilespmem:s29+$0xFFFFFFF0];
	v6 =	vmul.f32 $8.000000000e+00, v6  }
0x4b: {  	[tilespmem:s0+$0xFFFFFFE0] =	vst v4;
	v4 =	vld [tilespmem:s1+$0x30];
	v3 =	vmul.f32 $8.000000000e+00, v3  }
0x4c: {  	v0 =	vmul.f32 $8.000000000e+00, v0;
	[tilespmem:s6+$0x20] =	vst v6;
	v6 =	vld [tilespmem:s1+$0xFFFFFFF0]  }
0x4d: {  	v1 =	vmul.f32 $8.000000000e+00, v1;
	[tilespmem:s6+$0xFFFFFFE0] =	vst v3;
	v3 =	vld [tilespmem:s19+$0x30]  }
0x4e: {  	[tilespmem:s26+$0x30] =	vst v0;
	v0 =	vmul.f32 $8.000000000e+00, v2;
	v2 =	vld [tilespmem:s19+$0xFFFFFFF0]  }
0x4f: {  	[tilespmem:s26+$0xFFFFFFF0] =	vst v1;
	v1 =	vmul.f32 $8.000000000e+00, v5  }
0x50: {  	[tilespmem:s28+$0x30] =	vst v0;
	v0 =	vmul.f32 $8.000000000e+00, v4  }
0x51: {  	[tilespmem:s28+$0xFFFFFFF0] =	vst v1;
	v1 =	vmul.f32 $8.000000000e+00, v6  }
0x52: {  	[tilespmem:s0+$0x30] =	vst v0;
	v0 =	vmul.f32 $8.000000000e+00, v3  }
0x53: {  	[tilespmem:s0+$0xFFFFFFF0] =	vst v1;
	v1 =	vmul.f32 $8.000000000e+00, v2  }
0x54: {  	[tilespmem:s6+$0x30] =	vst v0  }
0x55: {  	[tilespmem:s6+$0xFFFFFFF0] =	vst v1  }
0x56: {  	[hbm4b:s5+s3] =	stream.linear.scatter [tilespmem:s18], [sflag:$0x3], $0x2000, $0x38;
	[tilespmem:$0x9900] =	vst v63  }
0x57: {  	s30 =	simm.s32 $0x100  }
0x58: {  	[tilespmem:s15], [sflag:$0x1] =	stream.indirect.gather [hbm4b:s4+s14], $0x40, s30, s14, $0xb8;
	[tilespmem:$0x9900] =	vst v63  }
0x59: {  	_ =	swait.ge [sflag:s20], $0x2000  }
0x5a: {  	[sflag:s20] =	ssyncset.done $0x0  }
0x5b: {  	s31 =	simm.s32 $0x3940;
	[sflag:s20] =	ssyncadd.s32 $0xFFFFE000  }
0x5c: {  	v0 =	vld [tilespmem:s31+$0x0];
	_ =	sdelay $0x3  }
0x5d: {  	v1 =	vld [tilespmem:s31+$0xFFFFFFC0]  }
0x5e: {  	v0 =	vmul.f32 $8.000000000e+00, v0  }
0x5f: {  	s26 =	simm.s32 $0x7940;
	s29 =	simm.s32 $0x39C0  }
0x60: {  	[tilespmem:s26+$0x0] =	vst v0;
	v0 =	vld [tilespmem:s29+$0x0]  }
0x61: {  	v2 =	vld [tilespmem:s31+$0x10]  }
0x62: {  	v1 =	vmul.f32 $8.000000000e+00, v1;
	_ =	sdelay $0x1  }
0x63: {  	[tilespmem:s26+$0xFFFFFFC0] =	vst v1;
	v1 =	vld [tilespmem:s29+$0xFFFFFFC0]  }
0x64: {  	v3 =	vld [tilespmem:s31+$0xFFFFFFD0];
	v0 =	vmul.f32 $8.000000000e+00, v0  }
0x65: {  	s1 =	simm.s32 $0x3A40;
	s28 =	simm.s32 $0x79C0;
	v2 =	vmul.f32 $8.000000000e+00, v2  }
0x66: {  	[tilespmem:s28+$0x0] =	vst v0;
	v0 =	vld [tilespmem:s1+$0x0]  }
0x67: {  	[tilespmem:s26+$0x10] =	vst v2;
	v2 =	vld [tilespmem:s29+$0x10]  }
0x68: {  	v1 =	vmul.f32 $8.000000000e+00, v1;
	v4 =	vld [tilespmem:s31+$0x20]  }
0x69: {  	v3 =	vmul.f32 $8.000000000e+00, v3  }
0x6a: {  	[tilespmem:s28+$0xFFFFFFC0] =	vst v1;
	v1 =	vld [tilespmem:s1+$0xFFFFFFC0]  }
0x6b: {  	[tilespmem:s26+$0xFFFFFFD0] =	vst v3;
	v3 =	vld [tilespmem:s29+$0xFFFFFFD0];
	v0 =	vmul.f32 $8.000000000e+00, v0  }
0x6c: {  	s19 =	simm.s32 $0x3AC0;
	s0 =	simm.s32 $0x7A40;
	v5 =	vld [tilespmem:s31+$0xFFFFFFE0];
	v2 =	vmul.f32 $8.000000000e+00, v2  }
0x6d: {  	[tilespmem:s0+$0x0] =	vst v0;
	v0 =	vmul.f32 $8.000000000e+00, v4;
	v4 =	vld [tilespmem:s19+$0x0]  }
0x6e: {  	[tilespmem:s28+$0x10] =	vst v2;
	v6 =	vld [tilespmem:s1+$0x10]  }
0x6f: {  	v1 =	vmul.f32 $8.000000000e+00, v1;
	[tilespmem:s26+$0x20] =	vst v0;
	v7 =	vld [tilespmem:s29+$0x20]  }
0x70: {  	v2 =	vmul.f32 $8.000000000e+00, v3;
	v0 =	vld [tilespmem:s31+$0x30]  }
0x71: {  	[tilespmem:s0+$0xFFFFFFC0] =	vst v1;
	v1 =	vmul.f32 $8.000000000e+00, v5;
	v3 =	vld [tilespmem:s19+$0xFFFFFFC0]  }
0x72: {  	[tilespmem:s28+$0xFFFFFFD0] =	vst v2;
	v5 =	vmul.f32 $8.000000000e+00, v4;
	v4 =	vld [tilespmem:s1+$0xFFFFFFD0]  }
0x73: {  	s22 =	simm.s32 $0x7AC0;
	[tilespmem:s26+$0xFFFFFFE0] =	vst v1;
	v2 =	vld [tilespmem:s29+$0xFFFFFFE0];
	v6 =	vmul.f32 $8.000000000e+00, v6  }
0x74: {  	s7 =	simm.s32 $0x6;
	s10 =	simm.s32 $0x3B40;
	s6 =	simm.s32 $0x7AC0;
	v1 =	vld [tilespmem:s31+$0xFFFFFFF0];
	[tilespmem:s22+$0x0] =	vst v5;
	v5 =	vmul.f32 $8.000000000e+00, v7  }
.LBB2_4:
0x75: {  	v7 =	vld [tilespmem:s10+$0x0];
	[tilespmem:s0+$0x10] =	vst v6;
	v0 =	vmul.f32 $8.000000000e+00, v0;
	s11 =	smov.u32 s29;
	s29 =	smov.u32 s1;
	s1 =	smov.u32 s19  }
0x76: {  	s19 =	smov.u32 s10;
	s7 =	sadd.s32 $0x2, s7;
	v3 =	vmul.f32 $8.000000000e+00, v3;
	v6 =	vld [tilespmem:s1+$0x10];
	[tilespmem:s28+$0x20] =	vst v5  }
0x77: {  	p0 =	slt.u32 s7, $0x7E;
	v4 =	vmul.f32 $8.000000000e+00, v4;
	v5 =	vld [tilespmem:s29+$0x20];
	[tilespmem:s26+$0x30] =	vst v0  }
.Ltmp1:
0x78: {  	[tilespmem:s22+$0xFFFFFFC0] =	vst v3;
	v2 =	vmul.f32 $8.000000000e+00, v2;
	v0 =	vld [tilespmem:s11+$0x30];
	(pc) =	sbr.rel @p0 .LBB2_4-.Ltmp1, $4  }
0x79: {  	v3 =	vld [tilespmem:s10+$0xFFFFFFC0];
	[tilespmem:s0+$0xFFFFFFD0] =	vst v4;
	v1 =	vmul.f32 $8.000000000e+00, v1  }
0x7a: {  	v7 =	vmul.f32 $8.000000000e+00, v7;
	v4 =	vld [tilespmem:s1+$0xFFFFFFD0];
	[tilespmem:s28+$0xFFFFFFE0] =	vst v2  }
0x7b: {  	s22 =	sadd.s32 $0x80, s22;
	v6 =	vmul.f32 $8.000000000e+00, v6;
	v2 =	vld [tilespmem:s29+$0xFFFFFFE0];
	[tilespmem:s26+$0xFFFFFFF0] =	vst v1;
	s26 =	smov.u32 s28;
	s28 =	smov.u32 s0  }
0x7c: {  	s10 =	sadd.s32 $0x80, s10;
	s0 =	smov.u32 s6;
	s6 =	smov.u32 s22;
	[tilespmem:s22+$0x0] =	vst v7;
	v5 =	vmul.f32 $8.000000000e+00, v5;
	v1 =	vld [tilespmem:s11+$0xFFFFFFF0]  }
0x7d: {  	_ = 	snop  }
0x7e: {  	v3 =	vmul.f32 $8.000000000e+00, v3;
	_ =	sdelay $0x1  }
0x7f: {  	v7 =	vld [tilespmem:s19+$0x10];
	[tilespmem:s22+$0xFFFFFFC0] =	vst v3  }
0x80: {  	v3 =	vld [tilespmem:s19+$0xFFFFFFD0];
	_ =	sdelay $0x2  }
0x81: {  	v4 =	vmul.f32 $8.000000000e+00, v4  }
0x82: {  	[tilespmem:s0+$0x10] =	vst v6;
	v49 =	vmul.f32 $8.000000000e+00, v7  }
0x83: {  	v50 =	vld [tilespmem:s1+$0x20];
	[tilespmem:s0+$0xFFFFFFD0] =	vst v4;
	v3 =	vmul.f32 $8.000000000e+00, v3  }
0x84: {  	v4 =	vld [tilespmem:s1+$0xFFFFFFE0];
	[tilespmem:s6+$0x10] =	vst v49  }
0x85: {  	v6 =	vld [tilespmem:s19+$0x20];
	[tilespmem:s6+$0xFFFFFFD0] =	vst v3  }
0x86: {  	v3 =	vld [tilespmem:s19+$0xFFFFFFE0]  }
0x87: {  	v2 =	vmul.f32 $8.000000000e+00, v2  }
0x88: {  	[tilespmem:s28+$0x20] =	vst v5;
	v51 =	vmul.f32 $8.000000000e+00, v50  }
0x89: {  	v52 =	vld [tilespmem:s29+$0x30];
	[tilespmem:s28+$0xFFFFFFE0] =	vst v2;
	v4 =	vmul.f32 $8.000000000e+00, v4  }
0x8a: {  	v53 =	vld [tilespmem:s29+$0xFFFFFFF0];
	[tilespmem:s0+$0x20] =	vst v51;
	v6 =	vmul.f32 $8.000000000e+00, v6  }
0x8b: {  	v54 =	vld [tilespmem:s1+$0x30];
	[tilespmem:s0+$0xFFFFFFE0] =	vst v4;
	v3 =	vmul.f32 $8.000000000e+00, v3  }
0x8c: {  	v0 =	vmul.f32 $8.000000000e+00, v0;
	v55 =	vld [tilespmem:s1+$0xFFFFFFF0];
	[tilespmem:s6+$0x20] =	vst v6  }
0x8d: {  	v1 =	vmul.f32 $8.000000000e+00, v1;
	v56 =	vld [tilespmem:s19+$0x30];
	[tilespmem:s6+$0xFFFFFFE0] =	vst v3  }
0x8e: {  	[tilespmem:s26+$0x30] =	vst v0;
	v57 =	vmul.f32 $8.000000000e+00, v52;
	v58 =	vld [tilespmem:s19+$0xFFFFFFF0]  }
0x8f: {  	[tilespmem:s26+$0xFFFFFFF0] =	vst v1;
	v59 =	vmul.f32 $8.000000000e+00, v53  }
0x90: {  	[tilespmem:s28+$0x30] =	vst v57;
	v60 =	vmul.f32 $8.000000000e+00, v54  }
0x91: {  	[tilespmem:s28+$0xFFFFFFF0] =	vst v59;
	v61 =	vmul.f32 $8.000000000e+00, v55  }
0x92: {  	[tilespmem:s0+$0x30] =	vst v60;
	v62 =	vmul.f32 $8.000000000e+00, v56  }
0x93: {  	[tilespmem:s0+$0xFFFFFFF0] =	vst v61;
	v63 =	vmul.f32 $8.000000000e+00, v58  }
0x94: {  	[tilespmem:s6+$0x30] =	vst v62  }
0x95: {  	[tilespmem:s6+$0xFFFFFFF0] =	vst v63  }
0x96: {  	s26 =	simm.s32 $0x0;
	s0 =	rddreg [dreg:$0x5]  }
0x97: {  	[hbm4b:s0+s26] =	stream.linear.scatter [tilespmem:s21], [sflag:$0x4], $0x2000, $0x38;
	[tilespmem:$0x9900] =	vst v63  }
0x98: {  	s31 =	simm.s32 $0x180  }
0x99: {  	[tilespmem:s16], [sflag:$0x2] =	stream.indirect.gather [hbm4b:s4+s14], $0x40, s31, s14, $0xb8;
	[tilespmem:$0x9900] =	vst v63  }
.LBB2_6:
0x9a: {  	_ =	swait.ge [sflag:s17], $0x2000  }
0x9b: {  	[sflag:s17] =	ssyncset.done $0x0  }
0x9c: {  	[sflag:s17] =	ssyncadd.s32 $0xFFFFE000  }
0x9d: {  	_ =	swait.ge [sflag:s23], $0x2000  }
0x9e: {  	[sflag:s23] =	ssyncset.done $0x0  }
0x9f: {  	s11 =	simm.s32 $0x1940;
	[sflag:s23] =	ssyncadd.s32 $0xFFFFE000  }
0xa0: {  	v0 =	vld [tilespmem:s11+$0x0];
	_ =	sdelay $0x3  }
0xa1: {  	v1 =	vld [tilespmem:s11+$0xFFFFFFC0]  }
0xa2: {  	v0 =	vmul.f32 $8.000000000e+00, v0  }
0xa3: {  	s28 =	simm.s32 $0x5940;
	s30 =	simm.s32 $0x19C0  }
0xa4: {  	[tilespmem:s28+$0x0] =	vst v0;
	v0 =	vld [tilespmem:s30+$0x0]  }
0xa5: {  	v2 =	vld [tilespmem:s11+$0x10]  }
0xa6: {  	v1 =	vmul.f32 $8.000000000e+00, v1;
	_ =	sdelay $0x1  }
0xa7: {  	[tilespmem:s28+$0xFFFFFFC0] =	vst v1;
	v1 =	vld [tilespmem:s30+$0xFFFFFFC0]  }
0xa8: {  	v3 =	vld [tilespmem:s11+$0xFFFFFFD0];
	v0 =	vmul.f32 $8.000000000e+00, v0  }
0xa9: {  	s29 =	simm.s32 $0x59C0;
	s1 =	simm.s32 $0x1A40;
	v2 =	vmul.f32 $8.000000000e+00, v2  }
0xaa: {  	[tilespmem:s29+$0x0] =	vst v0;
	v0 =	vld [tilespmem:s1+$0x0]  }
0xab: {  	[tilespmem:s28+$0x10] =	vst v2;
	v2 =	vld [tilespmem:s30+$0x10]  }
0xac: {  	v1 =	vmul.f32 $8.000000000e+00, v1;
	v4 =	vld [tilespmem:s11+$0x20]  }
0xad: {  	v3 =	vmul.f32 $8.000000000e+00, v3  }
0xae: {  	[tilespmem:s29+$0xFFFFFFC0] =	vst v1;
	v1 =	vld [tilespmem:s1+$0xFFFFFFC0]  }
0xaf: {  	[tilespmem:s28+$0xFFFFFFD0] =	vst v3;
	v3 =	vld [tilespmem:s30+$0xFFFFFFD0];
	v0 =	vmul.f32 $8.000000000e+00, v0  }
0xb0: {  	s0 =	simm.s32 $0x5A40;
	s19 =	simm.s32 $0x1AC0;
	v5 =	vld [tilespmem:s11+$0xFFFFFFE0];
	v2 =	vmul.f32 $8.000000000e+00, v2  }
0xb1: {  	[tilespmem:s0+$0x0] =	vst v0;
	v0 =	vmul.f32 $8.000000000e+00, v4;
	v4 =	vld [tilespmem:s19+$0x0]  }
0xb2: {  	[tilespmem:s29+$0x10] =	vst v2;
	v6 =	vld [tilespmem:s1+$0x10]  }
0xb3: {  	v1 =	vmul.f32 $8.000000000e+00, v1;
	[tilespmem:s28+$0x20] =	vst v0;
	v7 =	vld [tilespmem:s30+$0x20]  }
0xb4: {  	v2 =	vmul.f32 $8.000000000e+00, v3;
	v0 =	vld [tilespmem:s11+$0x30]  }
0xb5: {  	[tilespmem:s0+$0xFFFFFFC0] =	vst v1;
	v1 =	vmul.f32 $8.000000000e+00, v5;
	v3 =	vld [tilespmem:s19+$0xFFFFFFC0]  }
0xb6: {  	[tilespmem:s29+$0xFFFFFFD0] =	vst v2;
	v5 =	vmul.f32 $8.000000000e+00, v4;
	v4 =	vld [tilespmem:s1+$0xFFFFFFD0]  }
0xb7: {  	s6 =	simm.s32 $0x5AC0;
	[tilespmem:s28+$0xFFFFFFE0] =	vst v1;
	v2 =	vld [tilespmem:s30+$0xFFFFFFE0];
	v6 =	vmul.f32 $8.000000000e+00, v6  }
0xb8: {  	s7 =	simm.s32 $0x6;
	s10 =	simm.s32 $0x1B40;
	s22 =	simm.s32 $0x5AC0;
	v1 =	vld [tilespmem:s11+$0xFFFFFFF0];
	[tilespmem:s6+$0x0] =	vst v5;
	v5 =	vmul.f32 $8.000000000e+00, v7  }
.LBB2_7:
0xb9: {  	v7 =	vld [tilespmem:s10+$0x0];
	[tilespmem:s0+$0x10] =	vst v6;
	v0 =	vmul.f32 $8.000000000e+00, v0;
	s11 =	smov.u32 s30;
	s30 =	smov.u32 s1;
	s1 =	smov.u32 s19  }
0xba: {  	s19 =	smov.u32 s10;
	s7 =	sadd.s32 $0x2, s7;
	v3 =	vmul.f32 $8.000000000e+00, v3;
	v6 =	vld [tilespmem:s1+$0x10];
	[tilespmem:s29+$0x20] =	vst v5  }
0xbb: {  	p0 =	slt.u32 s7, $0x7E;
	v4 =	vmul.f32 $8.000000000e+00, v4;
	v5 =	vld [tilespmem:s30+$0x20];
	[tilespmem:s28+$0x30] =	vst v0  }
.Ltmp2:
0xbc: {  	[tilespmem:s6+$0xFFFFFFC0] =	vst v3;
	v2 =	vmul.f32 $8.000000000e+00, v2;
	v0 =	vld [tilespmem:s11+$0x30];
	(pc) =	sbr.rel @p0 .LBB2_7-.Ltmp2, $4  }
0xbd: {  	v3 =	vld [tilespmem:s10+$0xFFFFFFC0];
	[tilespmem:s0+$0xFFFFFFD0] =	vst v4;
	v1 =	vmul.f32 $8.000000000e+00, v1  }
0xbe: {  	v7 =	vmul.f32 $8.000000000e+00, v7;
	v4 =	vld [tilespmem:s1+$0xFFFFFFD0];
	[tilespmem:s29+$0xFFFFFFE0] =	vst v2  }
0xbf: {  	s6 =	sadd.s32 $0x80, s6;
	v6 =	vmul.f32 $8.000000000e+00, v6;
	v2 =	vld [tilespmem:s30+$0xFFFFFFE0];
	[tilespmem:s28+$0xFFFFFFF0] =	vst v1;
	s28 =	smov.u32 s29;
	s29 =	smov.u32 s0  }
0xc0: {  	s10 =	sadd.s32 $0x80, s10;
	s0 =	smov.u32 s22;
	s22 =	smov.u32 s6;
	[tilespmem:s6+$0x0] =	vst v7;
	v5 =	vmul.f32 $8.000000000e+00, v5;
	v1 =	vld [tilespmem:s11+$0xFFFFFFF0]  }
0xc1: {  	_ = 	snop  }
0xc2: {  	v3 =	vmul.f32 $8.000000000e+00, v3;
	_ =	sdelay $0x1  }
0xc3: {  	v7 =	vld [tilespmem:s19+$0x10];
	[tilespmem:s6+$0xFFFFFFC0] =	vst v3  }
0xc4: {  	v3 =	vld [tilespmem:s19+$0xFFFFFFD0];
	_ =	sdelay $0x2  }
0xc5: {  	v4 =	vmul.f32 $8.000000000e+00, v4  }
0xc6: {  	[tilespmem:s0+$0x10] =	vst v6;
	v6 =	vmul.f32 $8.000000000e+00, v7  }
0xc7: {  	[tilespmem:s0+$0xFFFFFFD0] =	vst v4;
	v7 =	vld [tilespmem:s1+$0x20];
	v3 =	vmul.f32 $8.000000000e+00, v3  }
0xc8: {  	v4 =	vld [tilespmem:s1+$0xFFFFFFE0];
	[tilespmem:s22+$0x10] =	vst v6  }
0xc9: {  	v6 =	vld [tilespmem:s19+$0x20];
	[tilespmem:s22+$0xFFFFFFD0] =	vst v3  }
0xca: {  	v3 =	vld [tilespmem:s19+$0xFFFFFFE0]  }
0xcb: {  	v2 =	vmul.f32 $8.000000000e+00, v2  }
0xcc: {  	[tilespmem:s29+$0x20] =	vst v5;
	v5 =	vmul.f32 $8.000000000e+00, v7  }
0xcd: {  	[tilespmem:s29+$0xFFFFFFE0] =	vst v2;
	v2 =	vld [tilespmem:s30+$0x30];
	v4 =	vmul.f32 $8.000000000e+00, v4  }
0xce: {  	[tilespmem:s0+$0x20] =	vst v5;
	v5 =	vld [tilespmem:s30+$0xFFFFFFF0];
	v6 =	vmul.f32 $8.000000000e+00, v6  }
0xcf: {  	[tilespmem:s0+$0xFFFFFFE0] =	vst v4;
	v4 =	vld [tilespmem:s1+$0x30];
	v3 =	vmul.f32 $8.000000000e+00, v3  }
0xd0: {  	v0 =	vmul.f32 $8.000000000e+00, v0;
	[tilespmem:s22+$0x20] =	vst v6;
	v6 =	vld [tilespmem:s1+$0xFFFFFFF0]  }
0xd1: {  	v1 =	vmul.f32 $8.000000000e+00, v1;
	[tilespmem:s22+$0xFFFFFFE0] =	vst v3;
	v3 =	vld [tilespmem:s19+$0x30]  }
0xd2: {  	[tilespmem:s28+$0x30] =	vst v0;
	v0 =	vmul.f32 $8.000000000e+00, v2;
	v2 =	vld [tilespmem:s19+$0xFFFFFFF0]  }
0xd3: {  	[tilespmem:s28+$0xFFFFFFF0] =	vst v1;
	v1 =	vmul.f32 $8.000000000e+00, v5  }
0xd4: {  	[tilespmem:s29+$0x30] =	vst v0;
	v0 =	vmul.f32 $8.000000000e+00, v4  }
0xd5: {  	s28 =	sshll.u32 s26, $0x8;
	[tilespmem:s29+$0xFFFFFFF0] =	vst v1;
	v1 =	vmul.f32 $8.000000000e+00, v6  }
0xd6: {  	s7 =	sadd.s32 s28, s8;
	[tilespmem:s0+$0x30] =	vst v0;
	v0 =	vmul.f32 $8.000000000e+00, v3  }
0xd7: {  	s10 =	sshll.u32 s7, $0x3;
	[tilespmem:s0+$0xFFFFFFF0] =	vst v1;
	v1 =	vmul.f32 $8.000000000e+00, v2  }
0xd8: {  	s0 =	sand.u32 $0x1FFFF800, s10;
	[tilespmem:s22+$0x30] =	vst v0  }
0xd9: {  	s29 =	sand.u32 $0x3FFFFF00, s28;
	s0 =	sadd.s32 s2, s0;
	[tilespmem:s22+$0xFFFFFFF0] =	vst v1  }
0xda: {  	[hbm4b:s0+s3] =	stream.linear.scatter [tilespmem:s18], [sflag:$0x3], $0x2000, $0x38;
	[tilespmem:$0x9900] =	vst v63  }
0xdb: {  	s11 =	sadd.s32 $0x200, s29  }
0xdc: {  	[tilespmem:s15], [sflag:$0x1] =	stream.indirect.gather [hbm4b:s4+s14], $0x40, s11, s14, $0xb8;
	[tilespmem:$0x9900] =	vst v63  }
0xdd: {  	_ =	swait.ge [sflag:s20], $0x2000  }
0xde: {  	[sflag:s20] =	ssyncset.done $0x0  }
0xdf: {  	[sflag:s20] =	ssyncadd.s32 $0xFFFFE000  }
0xe0: {  	_ =	swait.ge [sflag:s24], $0x2000  }
0xe1: {  	[sflag:s24] =	ssyncset.done $0x0  }
0xe2: {  	s12 =	simm.s32 $0x3940;
	[sflag:s24] =	ssyncadd.s32 $0xFFFFE000  }
0xe3: {  	v0 =	vld [tilespmem:s12+$0x0];
	_ =	sdelay $0x3  }
0xe4: {  	v1 =	vld [tilespmem:s12+$0xFFFFFFC0]  }
0xe5: {  	v0 =	vmul.f32 $8.000000000e+00, v0  }
0xe6: {  	s30 =	simm.s32 $0x7940;
	s1 =	simm.s32 $0x39C0  }
0xe7: {  	[tilespmem:s30+$0x0] =	vst v0;
	v0 =	vld [tilespmem:s1+$0x0]  }
0xe8: {  	v2 =	vld [tilespmem:s12+$0x10]  }
0xe9: {  	v1 =	vmul.f32 $8.000000000e+00, v1;
	_ =	sdelay $0x1  }
0xea: {  	[tilespmem:s30+$0xFFFFFFC0] =	vst v1;
	v1 =	vld [tilespmem:s1+$0xFFFFFFC0]  }
0xeb: {  	v3 =	vld [tilespmem:s12+$0xFFFFFFD0];
	v0 =	vmul.f32 $8.000000000e+00, v0  }
0xec: {  	s31 =	simm.s32 $0x79C0;
	s0 =	simm.s32 $0x3A40;
	v2 =	vmul.f32 $8.000000000e+00, v2  }
0xed: {  	[tilespmem:s31+$0x0] =	vst v0;
	v0 =	vld [tilespmem:s0+$0x0]  }
0xee: {  	[tilespmem:s30+$0x10] =	vst v2;
	v2 =	vld [tilespmem:s1+$0x10]  }
0xef: {  	v1 =	vmul.f32 $8.000000000e+00, v1;
	v4 =	vld [tilespmem:s12+$0x20]  }
0xf0: {  	v3 =	vmul.f32 $8.000000000e+00, v3  }
0xf1: {  	[tilespmem:s31+$0xFFFFFFC0] =	vst v1;
	v1 =	vld [tilespmem:s0+$0xFFFFFFC0]  }
0xf2: {  	[tilespmem:s30+$0xFFFFFFD0] =	vst v3;
	v3 =	vld [tilespmem:s1+$0xFFFFFFD0];
	v0 =	vmul.f32 $8.000000000e+00, v0  }
0xf3: {  	s19 =	simm.s32 $0x7A40;
	s22 =	simm.s32 $0x3AC0;
	v5 =	vld [tilespmem:s12+$0xFFFFFFE0];
	v2 =	vmul.f32 $8.000000000e+00, v2  }
0xf4: {  	[tilespmem:s19+$0x0] =	vst v0;
	v0 =	vmul.f32 $8.000000000e+00, v4;
	v4 =	vld [tilespmem:s22+$0x0]  }
0xf5: {  	[tilespmem:s31+$0x10] =	vst v2;
	v6 =	vld [tilespmem:s0+$0x10]  }
0xf6: {  	v1 =	vmul.f32 $8.000000000e+00, v1;
	[tilespmem:s30+$0x20] =	vst v0;
	v7 =	vld [tilespmem:s1+$0x20]  }
0xf7: {  	v2 =	vmul.f32 $8.000000000e+00, v3;
	v0 =	vld [tilespmem:s12+$0x30]  }
0xf8: {  	[tilespmem:s19+$0xFFFFFFC0] =	vst v1;
	v1 =	vmul.f32 $8.000000000e+00, v5;
	v3 =	vld [tilespmem:s22+$0xFFFFFFC0]  }
0xf9: {  	[tilespmem:s31+$0xFFFFFFD0] =	vst v2;
	v5 =	vmul.f32 $8.000000000e+00, v4;
	v4 =	vld [tilespmem:s0+$0xFFFFFFD0]  }
0xfa: {  	s7 =	simm.s32 $0x7AC0;
	[tilespmem:s30+$0xFFFFFFE0] =	vst v1;
	v2 =	vld [tilespmem:s1+$0xFFFFFFE0];
	v6 =	vmul.f32 $8.000000000e+00, v6  }
0xfb: {  	s6 =	simm.s32 $0x7AC0;
	s10 =	simm.s32 $0x6;
	s11 =	simm.s32 $0x3B40;
	v1 =	vld [tilespmem:s12+$0xFFFFFFF0];
	[tilespmem:s7+$0x0] =	vst v5;
	v5 =	vmul.f32 $8.000000000e+00, v7  }
.LBB2_9:
0xfc: {  	v7 =	vld [tilespmem:s11+$0x0];
	[tilespmem:s19+$0x10] =	vst v6;
	v0 =	vmul.f32 $8.000000000e+00, v0;
	s12 =	smov.u32 s1;
	s1 =	smov.u32 s0;
	s0 =	smov.u32 s22  }
0xfd: {  	s22 =	smov.u32 s11;
	s10 =	sadd.s32 $0x2, s10;
	v3 =	vmul.f32 $8.000000000e+00, v3;
	v6 =	vld [tilespmem:s0+$0x10];
	[tilespmem:s31+$0x20] =	vst v5  }
0xfe: {  	p0 =	slt.u32 s10, $0x7E;
	v4 =	vmul.f32 $8.000000000e+00, v4;
	v5 =	vld [tilespmem:s1+$0x20];
	[tilespmem:s30+$0x30] =	vst v0  }
.Ltmp3:
0xff: {  	[tilespmem:s7+$0xFFFFFFC0] =	vst v3;
	v2 =	vmul.f32 $8.000000000e+00, v2;
	v0 =	vld [tilespmem:s12+$0x30];
	(pc) =	sbr.rel @p0 .LBB2_9-.Ltmp3, $4  }
0x100: {  	v3 =	vld [tilespmem:s11+$0xFFFFFFC0];
	[tilespmem:s19+$0xFFFFFFD0] =	vst v4;
	v1 =	vmul.f32 $8.000000000e+00, v1  }
0x101: {  	v7 =	vmul.f32 $8.000000000e+00, v7;
	v4 =	vld [tilespmem:s0+$0xFFFFFFD0];
	[tilespmem:s31+$0xFFFFFFE0] =	vst v2  }
0x102: {  	s7 =	sadd.s32 $0x80, s7;
	v6 =	vmul.f32 $8.000000000e+00, v6;
	v2 =	vld [tilespmem:s1+$0xFFFFFFE0];
	[tilespmem:s30+$0xFFFFFFF0] =	vst v1;
	s30 =	smov.u32 s31;
	s31 =	smov.u32 s19  }
0x103: {  	s11 =	sadd.s32 $0x80, s11;
	s19 =	smov.u32 s6;
	s6 =	smov.u32 s7;
	[tilespmem:s7+$0x0] =	vst v7;
	v5 =	vmul.f32 $8.000000000e+00, v5;
	v1 =	vld [tilespmem:s12+$0xFFFFFFF0]  }
0x104: {  	_ = 	snop  }
0x105: {  	v3 =	vmul.f32 $8.000000000e+00, v3;
	_ =	sdelay $0x1  }
0x106: {  	v7 =	vld [tilespmem:s22+$0x10];
	[tilespmem:s7+$0xFFFFFFC0] =	vst v3  }
0x107: {  	v3 =	vld [tilespmem:s22+$0xFFFFFFD0];
	_ =	sdelay $0x2  }
0x108: {  	v4 =	vmul.f32 $8.000000000e+00, v4  }
0x109: {  	[tilespmem:s19+$0x10] =	vst v6;
	v49 =	vmul.f32 $8.000000000e+00, v7  }
0x10a: {  	v50 =	vld [tilespmem:s0+$0x20];
	[tilespmem:s19+$0xFFFFFFD0] =	vst v4;
	v3 =	vmul.f32 $8.000000000e+00, v3  }
0x10b: {  	v4 =	vld [tilespmem:s0+$0xFFFFFFE0];
	[tilespmem:s6+$0x10] =	vst v49  }
0x10c: {  	v6 =	vld [tilespmem:s22+$0x20];
	[tilespmem:s6+$0xFFFFFFD0] =	vst v3  }
0x10d: {  	v3 =	vld [tilespmem:s22+$0xFFFFFFE0]  }
0x10e: {  	v2 =	vmul.f32 $8.000000000e+00, v2  }
0x10f: {  	[tilespmem:s31+$0x20] =	vst v5;
	v51 =	vmul.f32 $8.000000000e+00, v50  }
0x110: {  	v52 =	vld [tilespmem:s1+$0x30];
	[tilespmem:s31+$0xFFFFFFE0] =	vst v2;
	v4 =	vmul.f32 $8.000000000e+00, v4  }
0x111: {  	v53 =	vld [tilespmem:s1+$0xFFFFFFF0];
	[tilespmem:s19+$0x20] =	vst v51;
	v6 =	vmul.f32 $8.000000000e+00, v6  }
0x112: {  	v54 =	vld [tilespmem:s0+$0x30];
	[tilespmem:s19+$0xFFFFFFE0] =	vst v4;
	v3 =	vmul.f32 $8.000000000e+00, v3  }
0x113: {  	v0 =	vmul.f32 $8.000000000e+00, v0;
	v55 =	vld [tilespmem:s0+$0xFFFFFFF0];
	[tilespmem:s6+$0x20] =	vst v6  }
0x114: {  	v1 =	vmul.f32 $8.000000000e+00, v1;
	v56 =	vld [tilespmem:s22+$0x30];
	[tilespmem:s6+$0xFFFFFFE0] =	vst v3  }
0x115: {  	[tilespmem:s30+$0x30] =	vst v0;
	v57 =	vmul.f32 $8.000000000e+00, v52;
	v58 =	vld [tilespmem:s22+$0xFFFFFFF0]  }
0x116: {  	[tilespmem:s30+$0xFFFFFFF0] =	vst v1;
	v59 =	vmul.f32 $8.000000000e+00, v53  }
0x117: {  	[tilespmem:s31+$0x30] =	vst v57;
	v60 =	vmul.f32 $8.000000000e+00, v54  }
0x118: {  	[tilespmem:s31+$0xFFFFFFF0] =	vst v59;
	v61 =	vmul.f32 $8.000000000e+00, v55  }
0x119: {  	s26 =	sadd.s32 $0x1, s26;
	s30 =	sadd.s32 s28, s9;
	[tilespmem:s19+$0x30] =	vst v60;
	v62 =	vmul.f32 $8.000000000e+00, v56  }
0x11a: {  	p0 =	sne.s32 s26, $0x17;
	s0 =	sshll.u32 s30, $0x3;
	[tilespmem:s19+$0xFFFFFFF0] =	vst v61;
	v63 =	vmul.f32 $8.000000000e+00, v58  }
.Ltmp4:
0x11b: {  	s0 =	sand.u32 $0x1FFFFC00, s0;
	[tilespmem:s6+$0x30] =	vst v62;
	(pc) =	sbr.rel @p0 .LBB2_6-.Ltmp4, $4  }
0x11c: {  	s0 =	sadd.s32 s2, s0;
	[tilespmem:s6+$0xFFFFFFF0] =	vst v63  }
0x11d: {  	[hbm4b:s0+s3] =	stream.linear.scatter [tilespmem:s21], [sflag:$0x4], $0x2000, $0x38;
	[tilespmem:$0x9900] =	vst v63  }
0x11e: {  	s31 =	sadd.s32 $0x280, s29  }
0x11f: {  	[tilespmem:s16], [sflag:$0x2] =	stream.indirect.gather [hbm4b:s4+s14], $0x40, s31, s14, $0xb8;
	[tilespmem:$0x9900] =	vst v63  }
0x120: {  	_ =	swait.ge [sflag:s17], $0x2000  }
0x121: {  	[sflag:s17] =	ssyncset.done $0x0  }
0x122: {  	[sflag:s17] =	ssyncadd.s32 $0xFFFFE000  }
0x123: {  	_ =	swait.ge [sflag:s23], $0x2000  }
0x124: {  	[sflag:s23] =	ssyncset.done $0x0  }
0x125: {  	s6 =	simm.s32 $0x1940;
	[sflag:s23] =	ssyncadd.s32 $0xFFFFE000  }
0x126: {  	v0 =	vld [tilespmem:s6+$0x0];
	_ =	sdelay $0x3  }
0x127: {  	v1 =	vld [tilespmem:s6+$0xFFFFFFC0]  }
0x128: {  	v0 =	vmul.f32 $8.000000000e+00, v0  }
0x129: {  	s26 =	simm.s32 $0x5940;
	s1 =	simm.s32 $0x19C0  }
0x12a: {  	[tilespmem:s26+$0x0] =	vst v0;
	v0 =	vld [tilespmem:s1+$0x0]  }
0x12b: {  	v2 =	vld [tilespmem:s6+$0x10]  }
0x12c: {  	v1 =	vmul.f32 $8.000000000e+00, v1;
	_ =	sdelay $0x1  }
0x12d: {  	[tilespmem:s26+$0xFFFFFFC0] =	vst v1;
	v1 =	vld [tilespmem:s1+$0xFFFFFFC0]  }
0x12e: {  	v3 =	vld [tilespmem:s6+$0xFFFFFFD0];
	v0 =	vmul.f32 $8.000000000e+00, v0  }
0x12f: {  	s28 =	simm.s32 $0x59C0;
	s0 =	simm.s32 $0x1A40;
	v2 =	vmul.f32 $8.000000000e+00, v2  }
0x130: {  	[tilespmem:s28+$0x0] =	vst v0;
	v0 =	vld [tilespmem:s0+$0x0]  }
0x131: {  	[tilespmem:s26+$0x10] =	vst v2;
	v2 =	vld [tilespmem:s1+$0x10]  }
0x132: {  	v1 =	vmul.f32 $8.000000000e+00, v1;
	v4 =	vld [tilespmem:s6+$0x20]  }
0x133: {  	v3 =	vmul.f32 $8.000000000e+00, v3  }
0x134: {  	[tilespmem:s28+$0xFFFFFFC0] =	vst v1;
	v1 =	vld [tilespmem:s0+$0xFFFFFFC0]  }
0x135: {  	[tilespmem:s26+$0xFFFFFFD0] =	vst v3;
	v3 =	vld [tilespmem:s1+$0xFFFFFFD0];
	v0 =	vmul.f32 $8.000000000e+00, v0  }
0x136: {  	s19 =	simm.s32 $0x5A40;
	s22 =	simm.s32 $0x1AC0;
	v5 =	vld [tilespmem:s6+$0xFFFFFFE0];
	v2 =	vmul.f32 $8.000000000e+00, v2  }
0x137: {  	[tilespmem:s19+$0x0] =	vst v0;
	v0 =	vmul.f32 $8.000000000e+00, v4;
	v4 =	vld [tilespmem:s22+$0x0]  }
0x138: {  	[tilespmem:s28+$0x10] =	vst v2;
	v6 =	vld [tilespmem:s0+$0x10]  }
0x139: {  	v1 =	vmul.f32 $8.000000000e+00, v1;
	[tilespmem:s26+$0x20] =	vst v0;
	v7 =	vld [tilespmem:s1+$0x20]  }
0x13a: {  	v2 =	vmul.f32 $8.000000000e+00, v3;
	v0 =	vld [tilespmem:s6+$0x30]  }
0x13b: {  	[tilespmem:s19+$0xFFFFFFC0] =	vst v1;
	v1 =	vmul.f32 $8.000000000e+00, v5;
	v3 =	vld [tilespmem:s22+$0xFFFFFFC0]  }
0x13c: {  	[tilespmem:s28+$0xFFFFFFD0] =	vst v2;
	v5 =	vmul.f32 $8.000000000e+00, v4;
	v4 =	vld [tilespmem:s0+$0xFFFFFFD0]  }
0x13d: {  	s7 =	simm.s32 $0x5AC0;
	[tilespmem:s26+$0xFFFFFFE0] =	vst v1;
	v2 =	vld [tilespmem:s1+$0xFFFFFFE0];
	v6 =	vmul.f32 $8.000000000e+00, v6  }
0x13e: {  	s10 =	simm.s32 $0x6;
	s11 =	simm.s32 $0x1B40;
	v1 =	vld [tilespmem:s6+$0xFFFFFFF0];
	s6 =	simm.s32 $0x5AC0;
	[tilespmem:s7+$0x0] =	vst v5;
	v5 =	vmul.f32 $8.000000000e+00, v7  }
.LBB2_12:
0x13f: {  	v7 =	vld [tilespmem:s11+$0x0];
	[tilespmem:s19+$0x10] =	vst v6;
	v0 =	vmul.f32 $8.000000000e+00, v0;
	s12 =	smov.u32 s1;
	s1 =	smov.u32 s0;
	s0 =	smov.u32 s22  }
0x140: {  	s22 =	smov.u32 s11;
	s10 =	sadd.s32 $0x2, s10;
	v3 =	vmul.f32 $8.000000000e+00, v3;
	v6 =	vld [tilespmem:s0+$0x10];
	[tilespmem:s28+$0x20] =	vst v5  }
0x141: {  	p0 =	slt.u32 s10, $0x7E;
	v4 =	vmul.f32 $8.000000000e+00, v4;
	v5 =	vld [tilespmem:s1+$0x20];
	[tilespmem:s26+$0x30] =	vst v0  }
.Ltmp5:
0x142: {  	[tilespmem:s7+$0xFFFFFFC0] =	vst v3;
	v2 =	vmul.f32 $8.000000000e+00, v2;
	v0 =	vld [tilespmem:s12+$0x30];
	(pc) =	sbr.rel @p0 .LBB2_12-.Ltmp5, $4  }
0x143: {  	v3 =	vld [tilespmem:s11+$0xFFFFFFC0];
	[tilespmem:s19+$0xFFFFFFD0] =	vst v4;
	v1 =	vmul.f32 $8.000000000e+00, v1  }
0x144: {  	v7 =	vmul.f32 $8.000000000e+00, v7;
	v4 =	vld [tilespmem:s0+$0xFFFFFFD0];
	[tilespmem:s28+$0xFFFFFFE0] =	vst v2  }
0x145: {  	s7 =	sadd.s32 $0x80, s7;
	v6 =	vmul.f32 $8.000000000e+00, v6;
	v2 =	vld [tilespmem:s1+$0xFFFFFFE0];
	[tilespmem:s26+$0xFFFFFFF0] =	vst v1;
	s26 =	smov.u32 s28;
	s28 =	smov.u32 s19  }
0x146: {  	s11 =	sadd.s32 $0x80, s11;
	s19 =	smov.u32 s6;
	s6 =	smov.u32 s7;
	[tilespmem:s7+$0x0] =	vst v7;
	v5 =	vmul.f32 $8.000000000e+00, v5;
	v1 =	vld [tilespmem:s12+$0xFFFFFFF0]  }
0x147: {  	_ = 	snop  }
0x148: {  	v3 =	vmul.f32 $8.000000000e+00, v3;
	_ =	sdelay $0x1  }
0x149: {  	v7 =	vld [tilespmem:s22+$0x10];
	[tilespmem:s7+$0xFFFFFFC0] =	vst v3  }
0x14a: {  	v3 =	vld [tilespmem:s22+$0xFFFFFFD0];
	_ =	sdelay $0x2  }
0x14b: {  	v4 =	vmul.f32 $8.000000000e+00, v4  }
0x14c: {  	[tilespmem:s19+$0x10] =	vst v6;
	v6 =	vmul.f32 $8.000000000e+00, v7  }
0x14d: {  	[tilespmem:s19+$0xFFFFFFD0] =	vst v4;
	v7 =	vld [tilespmem:s0+$0x20];
	v3 =	vmul.f32 $8.000000000e+00, v3  }
0x14e: {  	v4 =	vld [tilespmem:s0+$0xFFFFFFE0];
	[tilespmem:s6+$0x10] =	vst v6  }
0x14f: {  	v6 =	vld [tilespmem:s22+$0x20];
	[tilespmem:s6+$0xFFFFFFD0] =	vst v3  }
0x150: {  	v3 =	vld [tilespmem:s22+$0xFFFFFFE0]  }
0x151: {  	v2 =	vmul.f32 $8.000000000e+00, v2  }
0x152: {  	[tilespmem:s28+$0x20] =	vst v5;
	v5 =	vmul.f32 $8.000000000e+00, v7  }
0x153: {  	[tilespmem:s28+$0xFFFFFFE0] =	vst v2;
	v2 =	vld [tilespmem:s1+$0x30];
	v4 =	vmul.f32 $8.000000000e+00, v4  }
0x154: {  	[tilespmem:s19+$0x20] =	vst v5;
	v5 =	vld [tilespmem:s1+$0xFFFFFFF0];
	v6 =	vmul.f32 $8.000000000e+00, v6  }
0x155: {  	[tilespmem:s19+$0xFFFFFFE0] =	vst v4;
	v4 =	vld [tilespmem:s0+$0x30];
	v3 =	vmul.f32 $8.000000000e+00, v3  }
0x156: {  	v0 =	vmul.f32 $8.000000000e+00, v0;
	[tilespmem:s6+$0x20] =	vst v6;
	v6 =	vld [tilespmem:s0+$0xFFFFFFF0]  }
0x157: {  	v1 =	vmul.f32 $8.000000000e+00, v1;
	[tilespmem:s6+$0xFFFFFFE0] =	vst v3;
	v3 =	vld [tilespmem:s22+$0x30]  }
0x158: {  	[tilespmem:s26+$0x30] =	vst v0;
	v0 =	vmul.f32 $8.000000000e+00, v2;
	v2 =	vld [tilespmem:s22+$0xFFFFFFF0]  }
0x159: {  	[tilespmem:s26+$0xFFFFFFF0] =	vst v1;
	v1 =	vmul.f32 $8.000000000e+00, v5  }
0x15a: {  	[tilespmem:s28+$0x30] =	vst v0;
	v0 =	vmul.f32 $8.000000000e+00, v4  }
0x15b: {  	[tilespmem:s28+$0xFFFFFFF0] =	vst v1;
	v1 =	vmul.f32 $8.000000000e+00, v6  }
0x15c: {  	[tilespmem:s19+$0x30] =	vst v0;
	v0 =	vmul.f32 $8.000000000e+00, v3  }
0x15d: {  	[tilespmem:s19+$0xFFFFFFF0] =	vst v1;
	v1 =	vmul.f32 $8.000000000e+00, v2  }
0x15e: {  	[tilespmem:s6+$0x30] =	vst v0  }
0x15f: {  	[tilespmem:s6+$0xFFFFFFF0] =	vst v1  }
0x160: {  	s30 =	rddreg [dreg:$0x6]  }
0x161: {  	[hbm4b:s30+s3] =	stream.linear.scatter [tilespmem:s18], [sflag:$0x3], $0x2000, $0x38;
	[tilespmem:$0x9900] =	vst v63  }
0x162: {  	_ =	swait.ge [sflag:s20], $0x2000  }
0x163: {  	[sflag:s20] =	ssyncset.done $0x0  }
0x164: {  	[sflag:s20] =	ssyncadd.s32 $0xFFFFE000  }
0x165: {  	_ =	swait.ge [sflag:s24], $0x2000  }
0x166: {  	[sflag:s24] =	ssyncset.done $0x0  }
0x167: {  	s31 =	simm.s32 $0x3940;
	[sflag:s24] =	ssyncadd.s32 $0xFFFFE000  }
0x168: {  	v0 =	vld [tilespmem:s31+$0x0];
	_ =	sdelay $0x3  }
0x169: {  	v1 =	vld [tilespmem:s31+$0xFFFFFFC0]  }
0x16a: {  	v0 =	vmul.f32 $8.000000000e+00, v0  }
0x16b: {  	s26 =	simm.s32 $0x7940;
	s1 =	simm.s32 $0x39C0  }
0x16c: {  	[tilespmem:s26+$0x0] =	vst v0;
	v0 =	vld [tilespmem:s1+$0x0]  }
0x16d: {  	v2 =	vld [tilespmem:s31+$0x10]  }
0x16e: {  	v1 =	vmul.f32 $8.000000000e+00, v1;
	_ =	sdelay $0x1  }
0x16f: {  	[tilespmem:s26+$0xFFFFFFC0] =	vst v1;
	v1 =	vld [tilespmem:s1+$0xFFFFFFC0]  }
0x170: {  	v3 =	vld [tilespmem:s31+$0xFFFFFFD0];
	v0 =	vmul.f32 $8.000000000e+00, v0  }
0x171: {  	s0 =	simm.s32 $0x3A40;
	s28 =	simm.s32 $0x79C0;
	v2 =	vmul.f32 $8.000000000e+00, v2  }
0x172: {  	[tilespmem:s28+$0x0] =	vst v0;
	v0 =	vld [tilespmem:s0+$0x0]  }
0x173: {  	[tilespmem:s26+$0x10] =	vst v2;
	v2 =	vld [tilespmem:s1+$0x10]  }
0x174: {  	v1 =	vmul.f32 $8.000000000e+00, v1;
	v4 =	vld [tilespmem:s31+$0x20]  }
0x175: {  	v3 =	vmul.f32 $8.000000000e+00, v3  }
0x176: {  	[tilespmem:s28+$0xFFFFFFC0] =	vst v1;
	v1 =	vld [tilespmem:s0+$0xFFFFFFC0]  }
0x177: {  	[tilespmem:s26+$0xFFFFFFD0] =	vst v3;
	v3 =	vld [tilespmem:s1+$0xFFFFFFD0];
	v0 =	vmul.f32 $8.000000000e+00, v0  }
0x178: {  	s22 =	simm.s32 $0x3AC0;
	s19 =	simm.s32 $0x7A40;
	v5 =	vld [tilespmem:s31+$0xFFFFFFE0];
	v2 =	vmul.f32 $8.000000000e+00, v2  }
0x179: {  	[tilespmem:s19+$0x0] =	vst v0;
	v0 =	vmul.f32 $8.000000000e+00, v4;
	v4 =	vld [tilespmem:s22+$0x0]  }
0x17a: {  	[tilespmem:s28+$0x10] =	vst v2;
	v6 =	vld [tilespmem:s0+$0x10]  }
0x17b: {  	v1 =	vmul.f32 $8.000000000e+00, v1;
	[tilespmem:s26+$0x20] =	vst v0;
	v7 =	vld [tilespmem:s1+$0x20]  }
0x17c: {  	v2 =	vmul.f32 $8.000000000e+00, v3;
	v0 =	vld [tilespmem:s31+$0x30]  }
0x17d: {  	[tilespmem:s19+$0xFFFFFFC0] =	vst v1;
	v1 =	vmul.f32 $8.000000000e+00, v5;
	v3 =	vld [tilespmem:s22+$0xFFFFFFC0]  }
0x17e: {  	[tilespmem:s28+$0xFFFFFFD0] =	vst v2;
	v5 =	vmul.f32 $8.000000000e+00, v4;
	v4 =	vld [tilespmem:s0+$0xFFFFFFD0]  }
0x17f: {  	s7 =	simm.s32 $0x7AC0;
	[tilespmem:s26+$0xFFFFFFE0] =	vst v1;
	v2 =	vld [tilespmem:s1+$0xFFFFFFE0];
	v6 =	vmul.f32 $8.000000000e+00, v6  }
0x180: {  	s10 =	simm.s32 $0x6;
	s11 =	simm.s32 $0x3B40;
	s6 =	simm.s32 $0x7AC0;
	v1 =	vld [tilespmem:s31+$0xFFFFFFF0];
	[tilespmem:s7+$0x0] =	vst v5;
	v5 =	vmul.f32 $8.000000000e+00, v7  }
.LBB2_14:
0x181: {  	v7 =	vld [tilespmem:s11+$0x0];
	[tilespmem:s19+$0x10] =	vst v6;
	v0 =	vmul.f32 $8.000000000e+00, v0;
	s12 =	smov.u32 s1;
	s1 =	smov.u32 s0;
	s0 =	smov.u32 s22  }
0x182: {  	s22 =	smov.u32 s11;
	s10 =	sadd.s32 $0x2, s10;
	v3 =	vmul.f32 $8.000000000e+00, v3;
	v6 =	vld [tilespmem:s0+$0x10];
	[tilespmem:s28+$0x20] =	vst v5  }
0x183: {  	p0 =	slt.u32 s10, $0x7E;
	v4 =	vmul.f32 $8.000000000e+00, v4;
	v5 =	vld [tilespmem:s1+$0x20];
	[tilespmem:s26+$0x30] =	vst v0  }
.Ltmp6:
0x184: {  	[tilespmem:s7+$0xFFFFFFC0] =	vst v3;
	v2 =	vmul.f32 $8.000000000e+00, v2;
	v0 =	vld [tilespmem:s12+$0x30];
	(pc) =	sbr.rel @p0 .LBB2_14-.Ltmp6, $4  }
0x185: {  	v3 =	vld [tilespmem:s11+$0xFFFFFFC0];
	[tilespmem:s19+$0xFFFFFFD0] =	vst v4;
	v1 =	vmul.f32 $8.000000000e+00, v1  }
0x186: {  	v7 =	vmul.f32 $8.000000000e+00, v7;
	v4 =	vld [tilespmem:s0+$0xFFFFFFD0];
	[tilespmem:s28+$0xFFFFFFE0] =	vst v2  }
0x187: {  	s7 =	sadd.s32 $0x80, s7;
	v6 =	vmul.f32 $8.000000000e+00, v6;
	v2 =	vld [tilespmem:s1+$0xFFFFFFE0];
	[tilespmem:s26+$0xFFFFFFF0] =	vst v1;
	s26 =	smov.u32 s28;
	s28 =	smov.u32 s19  }
0x188: {  	s11 =	sadd.s32 $0x80, s11;
	s19 =	smov.u32 s6;
	s6 =	smov.u32 s7;
	[tilespmem:s7+$0x0] =	vst v7;
	v5 =	vmul.f32 $8.000000000e+00, v5;
	v1 =	vld [tilespmem:s12+$0xFFFFFFF0]  }
0x189: {  	_ = 	snop  }
0x18a: {  	v3 =	vmul.f32 $8.000000000e+00, v3;
	_ =	sdelay $0x1  }
0x18b: {  	v7 =	vld [tilespmem:s22+$0x10];
	[tilespmem:s7+$0xFFFFFFC0] =	vst v3  }
0x18c: {  	v3 =	vld [tilespmem:s22+$0xFFFFFFD0];
	_ =	sdelay $0x2  }
0x18d: {  	v4 =	vmul.f32 $8.000000000e+00, v4  }
0x18e: {  	[tilespmem:s19+$0x10] =	vst v6;
	v49 =	vmul.f32 $8.000000000e+00, v7  }
0x18f: {  	v50 =	vld [tilespmem:s0+$0x20];
	[tilespmem:s19+$0xFFFFFFD0] =	vst v4;
	v3 =	vmul.f32 $8.000000000e+00, v3  }
0x190: {  	v4 =	vld [tilespmem:s0+$0xFFFFFFE0];
	[tilespmem:s6+$0x10] =	vst v49  }
0x191: {  	v6 =	vld [tilespmem:s22+$0x20];
	[tilespmem:s6+$0xFFFFFFD0] =	vst v3  }
0x192: {  	v3 =	vld [tilespmem:s22+$0xFFFFFFE0]  }
0x193: {  	v2 =	vmul.f32 $8.000000000e+00, v2  }
0x194: {  	[tilespmem:s28+$0x20] =	vst v5;
	v51 =	vmul.f32 $8.000000000e+00, v50  }
0x195: {  	v52 =	vld [tilespmem:s1+$0x30];
	[tilespmem:s28+$0xFFFFFFE0] =	vst v2;
	v4 =	vmul.f32 $8.000000000e+00, v4  }
0x196: {  	v53 =	vld [tilespmem:s1+$0xFFFFFFF0];
	[tilespmem:s19+$0x20] =	vst v51;
	v6 =	vmul.f32 $8.000000000e+00, v6  }
0x197: {  	v54 =	vld [tilespmem:s0+$0x30];
	[tilespmem:s19+$0xFFFFFFE0] =	vst v4;
	v3 =	vmul.f32 $8.000000000e+00, v3  }
0x198: {  	v0 =	vmul.f32 $8.000000000e+00, v0;
	v55 =	vld [tilespmem:s0+$0xFFFFFFF0];
	[tilespmem:s6+$0x20] =	vst v6  }
0x199: {  	v1 =	vmul.f32 $8.000000000e+00, v1;
	v56 =	vld [tilespmem:s22+$0x30];
	[tilespmem:s6+$0xFFFFFFE0] =	vst v3  }
0x19a: {  	[tilespmem:s26+$0x30] =	vst v0;
	v57 =	vmul.f32 $8.000000000e+00, v52;
	v58 =	vld [tilespmem:s22+$0xFFFFFFF0]  }
0x19b: {  	[tilespmem:s26+$0xFFFFFFF0] =	vst v1;
	v59 =	vmul.f32 $8.000000000e+00, v53  }
0x19c: {  	[tilespmem:s28+$0x30] =	vst v57;
	v60 =	vmul.f32 $8.000000000e+00, v54  }
0x19d: {  	[tilespmem:s28+$0xFFFFFFF0] =	vst v59;
	v61 =	vmul.f32 $8.000000000e+00, v55  }
0x19e: {  	[tilespmem:s19+$0x30] =	vst v60;
	v62 =	vmul.f32 $8.000000000e+00, v56  }
0x19f: {  	[tilespmem:s19+$0xFFFFFFF0] =	vst v61;
	v63 =	vmul.f32 $8.000000000e+00, v58  }
0x1a0: {  	[tilespmem:s6+$0x30] =	vst v62  }
0x1a1: {  	[tilespmem:s6+$0xFFFFFFF0] =	vst v63  }
0x1a2: {  	s30 =	rddreg [dreg:$0x7]  }
0x1a3: {  	[hbm4b:s30+s3] =	stream.linear.scatter [tilespmem:s21], [sflag:$0x4], $0x2000, $0x38;
	[tilespmem:$0x9900] =	vst v63  }
0x1a4: {  	_ =	swait.ge [sflag:s23], $0x2000  }
0x1a5: {  	[sflag:s23] =	ssyncset.done $0x0  }
0x1a6: {  	[sflag:s23] =	ssyncadd.s32 $0xFFFFE000  }
0x1a7: {  	_ =	swait.ge [sflag:s24], $0x2000  }
0x1a8: {  	s25 =	sadd.s32 $0x1, s25;
	s31 =	rddreg [dreg:$0x8]  }
0x1a9: {  	p0 =	sne.s32 s25, s31  }
.Ltmp7:
0x1aa: {  	_ = 	snop;
	(pc) =	sbr.rel @p0 .LBB2_1-.Ltmp7, $3  }
0x1ab: {  	_ =	sdelay $0x1  }
0x1ac: {  	[sflag:s24] =	ssyncset.done $0x0  }
0x1ad: {  	[sflag:s24] =	ssyncadd.s32 $0xFFFFE000  }
0x1ae: {  	_ =	sfence.sel $0x180000  }
0x1af: {  	[bflag:$0x0] =	sbarrier.arrive $0xFFFF  }
0x1b0: {  	_ =	strace $0x90000047  }
0x1b1: {  	s0 =	stileid.u32;
	[bflag:$0x2] =	sbarrier.arrive $0xFFFF  }
0x1b2: {  	p0 =	sne.s32 s0, $0x0;
	s0 =	rddreg [dreg:$0x3]  }
0x1b3: {  	s0 =	sadd.s32 @!p0 $0x100000, s0  }
0x1b4: {  	[sflag:s0] =	ssyncadd.tile.s32 @!p0 $0x1;
	_ =	shalt  }
.Lfunc_end2:
_tile_overlayer_lowered:
.L_overlay_start_2:
0x1b5: {  	(tag) =	ssettag $0x2  }
0x1b6: {  	s0 =	rddreg [dreg:$0x0];
	s2 =	stileid.u32  }
0x1b7: {  	s1 =	rddreg [dreg:$0x1];
	p0 =	sne.s32 s2, $0x0  }
0x1b8: {  	s3 =	rddreg [dreg:$0x2];
	[bflag:$0x3] =	sbarrier.arrive $0xFFFF;
	s2 =	simm.s32 @!p0 $0x1C05  }
0x1b9: {  	[timem:s3], [sflag:s2] =	dma.local @!p0 [hbm:s0], s1  }
0x1ba: {  	s0 =	simm.s32 @!p0 $0x5  }
0x1bb: {  	_ =	swait.ge @!p0 [sflag:s0], s1  }
0x1bc: {  	s1 =	ssub.s32 @!p0 $0x0, s1;
	[sflag:s0] =	ssyncset.done @!p0 $0x0  }
0x1bd: {  	[sflag:s0] =	ssyncadd.s32 @!p0 s1  }
0x1be: {  	[bflag:$0x3] =	sbarrier.arrive $0xFFFF  }
0x1bf: {  	_ =	shalt  }

// kernel: sparse-core-data-format-call.cloned.1.call-start
scs
called_computation_lowered:
.L_overlay_start_0:
0x0: {  	s2 =	sld [smem:$0x3FD9]  }
0x1: {  	s3 =	sld [smem:$0x3FFE];
	_ =	sdelay $0x1  }
0x2: {  	s1 =	srdreg.scid  }
0x3: {  	s0 =	sand.u32 $0x1, s1  }
0x4: {  	s18 =	sshll.u32 s0, $0xA;
	s2 =	sadd.s32 s3, s2  }
0x5: {  	s2 =	sadd.s32 s2, s18  }
0x6: {  	[smem:$0x3FC6] =	sst s2  }
0x7: {  	_ = 	snop  }
0x8: {  	s2 =	sld [smem:$0x3FD0];
	(tm) =	ssettm $0x1  }
0x9: {  	s19 =	sld [smem:$0x3FFB];
	_ =	sdelay $0x3  }
0xa: {  	_ =	strace s19  }
0xb: {  	s3 =	sld [smem:$0x3FFC];
	_ =	sdelay $0x3  }
0xc: {  	_ =	strace s3  }
0xd: {  	s3 =	sld [smem:$0x3FFD];
	_ =	sdelay $0x3  }
0xe: {  	_ =	strace s3  }
0xf: {  	_ =	strace $0x8FFFFFFF  }
0x10: {  	s20 =	sld [smem:$0x3FDB];
	_ =	sdelay $0x1  }
0x11: {  	s4 =	simm.s32 $_scs_section_size  }
0x12: {  	s5 =	simm.s32 $_size__tile_overlayer_lowered;
	s6 =	simm.s32 $_tile_overlayer_lowered  }
0x13: {  	s23 =	simm.s32 $0x1BFF;
	s22 =	sshll.u32 s6, $0x1;
	s3 =	sadd.s32 s4, s20  }
0x14: {  	s7 =	simm.s32 $0x0;
	s21 =	sshll.u32 s5, $0x1;
	s5 =	sadd.s32 s22, s3  }
0x15: {  	[timem:s7], [sflag:s23] =	dma.local [hbm:s5], s21  }
0x16: {  	_ =	swait.ge [sflag:s23], s21  }
0x17: {  	s4 =	ssub.s32 $0x0, s21;
	[sflag:s23] =	ssyncset.done $0x0  }
0x18: {  	[sflag:s23] =	ssyncadd.s32 s4;
	_ =	sdelay $0x1  }
0x19: {  	s24 =	simm.s32 $0x1B8B  }
0x1a: {  	_ =	swait.ge [sflag:s24], $0x1  }
0x1b: {  	[sflag:s24] =	ssyncset.done $0x0  }
0x1c: {  	s26 =	simm.s32 $0x1B8E;
	s25 =	sld [smem:$0x3FFE];
	[sflag:s24] =	ssyncadd.s32 $0xFFFFFFFF  }
0x1d: {  	s27 =	simm.s32 $execute0_lowered;
	[smem:$0x3FD2] =	sst s26  }
0x1e: {  	s5 =	sshll.u32 s27, $0x1;
	_ =	strace $0x80000049;
	[dreg:$0x1] =	wrdreg $0xFFFFFFFF  }
0x1f: {  	s28 =	simm.s32 $_size_execute0_lowered;
	s3 =	sadd.s32 s3, s5;
	[dreg:$0x0] =	wrdreg $0x0  }
0x20: {  	s5 =	sshll.u32 s28, $0x1;
	[dreg:$0x2] =	wrdreg s3  }
0x21: {  	[dreg:$0x3] =	wrdreg s5  }
0x22: {  	[dreg:$0x4] =	wrdreg $0xC0  }
0x23: {  	_ =	task [dreg:s7], $0x5FFFF  }
0x24: {  	[dreg:$0x1] =	wrdreg $0xFFFFFFFF  }
0x25: {  	[dreg:$0x0] =	wrdreg $0x60  }
0x26: {  	[dreg:$0x2] =	wrdreg s25  }
0x27: {  	[dreg:$0x3] =	wrdreg s2  }
0x28: {  	[dreg:$0x4] =	wrdreg $0x9  }
0x29: {  	_ =	task.clear_ibuf [dreg:s7], $0x5FFFF;
	_ =	strace $0x90000049  }
0x2a: {  	s29 =	simm.s32 $0x9;
	_ =	strace $0x8000004B  }
0x2b: {  	_ =	swait.ge [sflag:s29], $0x1  }
0x2c: {  	[sflag:s29] =	ssyncadd.s32 $0xFFFFFFFF  }
0x2d: {  	_ =	strace $0x9000004B  }
0x2e: {  	_ =	sfence  }
0x2f: {  	s30 =	sld [smem:$0x0];
	_ =	sdelay $0x2  }
0x30: {  	s31 =	sshll.u32 s1, $0xD;
	s1 =	sshrl.u32 s1, $0x2  }
0x31: {  	s3 =	sand.u32 $0x4000, s31;
	s1 =	sadd.s32 s1, s30  }
0x32: {  	s0 =	sor.u32 s3, s0;
	s1 =	sshll.u32 s1, $0x11  }
0x33: {  	s0 =	sor.u32 s1, s0  }
0x34: {  	s0 =	sadd.s32 $0x8F2B, s0  }
0x35: {  	[sflag:s0] =	ssyncadd.remote.s32 $0x1  }
0x36: {  	_ =	sfence.sel $0xFFFF  }
0x37: {  	[dreg:$0x0] =	wrdreg $0xFFFFFFFF;
	(pc) =	sbr.abs _section_cstart, $3  }
0x38: {  	[dreg:$0x1] =	wrdreg $0xFFFFFFFF  }
0x39: {  	_ =	task.clear_ibuf [dreg:s7], $0x2FFFF;
	_ =	strace $0x9FFFFFFF  }
0x3a: {  	(tm) =	ssettm $0x7FFFFFFF  }
0x3b: {  	_ =	shalt  }
tec
execute0_lowered:
.L_overlay_start_1:
0x0: {  	(tag) =	ssettag $0x1  }
0x1: {  	s0 =	srdreg.scid  }
0x2: {  	s1 =	sshll.u32 s0, $0x4  }
0x3: {  	s4 =	rddreg [dreg:$0x0];
	s0 =	stileid.u32;
	s1 =	sand.u32 $0x10, s1  }
0x4: {  	s2 =	rddreg [dreg:$0x1];
	s7 =	simm.s32 $0x1;
	s1 =	sor.u32 s0, s1  }
0x5: {  	s8 =	simm.s32 $0x2;
	s11 =	simm.s32 $0x0;
	s3 =	sshll.u32 s1, $0x7  }
0x6: {  	s10 =	simm.s32 $0x0;
	s4 =	sadd.s32 $0x800, s4;
	s6 =	ssub.s32 $0x32000, s3  }
.Ltmp0:
0x7: {  	s1 =	rddreg [dreg:$0x2];
	s5 =	sand.u32 $0xF80, s6;
	(pc) =	sbr.rel .LBB1_1-.Ltmp0, $4  }
0x8: {  	_ =	strace $0x8000004A;
	s9 =	smov.u32 s3;
	p0 =	sne.s32 s5, $0x0  }
0x9: {  	s6 =	sshrl.u32 s6, $0xC;
	s5 =	simm.s32 $0x1;
	s7 =	simm.s32 @!p0 $0x0  }
0xa: {  	[sflag:s5] =	ssyncpa.u1 $0x0;
	p0 =	por $0x0, $0x0;
	s6 =	sadd.s32 s7, s6  }
0xb: {  	[sflag:s8] =	ssyncpa.u1 $0x0;
	s8 =	simm.s32 $0x190000;
	s7 =	sadd.s32 $0x1, s6  }
.LBB1_4:
0xc: {  	s14 =	sshll.u32 s11, $0x3  }
0xd: {  	s30 =	sand.u32 $0x7F, s11;
	s15 =	sand.u32 $0xFFFFFC00, s14  }
0xe: {  	s11 =	sor.u32 s30, s15  }
0xf: {  	s15 =	smulhi.u32 $0x51EB851F, s11  }
0x10: {  	s14 =	smulhi.u32 $0x51EB851F, s14  }
0x11: {  	s15 =	sshrl.u32 s15, $0x10  }
0x12: {  	s14 =	sshrl.u32 s14, $0x10;
	s15 =	smul.u32 $0x32000, s15  }
0x13: {  	s14 =	sand.u32 $0x3F, s14  }
0x14: {  	s14 =	smul.u32 $0x6400, s14;
	s11 =	ssub.s32 s11, s15  }
0x15: {  	[tilespmem:s13+$0x810 ss:$0x81] =	vst.msk $0xffff, v2;
	s15 =	sand.u32 $0x7, s11  }
0x16: {  	[tilespmem:s13+$0x1020 ss:$0x81] =	vst.msk $0xffff, v0;
	s14 =	sadd.s32 s2, s14;
	s11 =	sshrl.u32 s11, $0x3;
	s15 =	sshll.u32 s15, $0x12  }
0x17: {  	[tilespmem:s13+$0x0 ss:$0x81] =	vst.msk $0xffff, v1;
	s11 =	sadd.s32 s11, s14;
	s31 =	sor.u32 $0x400, s15  }
0x18: {  	[hbm4b:s11+s31] =	stream.strided.scatter [tilespmem:s12], [sflag:$0x2], $0x2000, s8, s31, $0x20;
	[tilespmem:$0x8080] =	vst v63  }
.LBB1_5:
0x19: {  	s13 =	sadd.s32 $0x1000, s9  }
0x1a: {  	p2 =	sgt.s32 s13, $0x31FFF  }
0x1b: {  	s13 =	smov.u32 @p2 s3;
	p2 =	sne.s32 s10, s7  }
.Ltmp1:
0x1c: {  	p1 =	slt.u32 s10, $0x2;
	(pc) =	sbr.rel @!p2 .LBB1_6-.Ltmp1, $4  }
0x1d: {  	s12 =	simm.s32 @!p1 $0x2  }
0x1e: {  	s14 =	sadd.s32 $0x1, s10;
	_ =	swait.ge @!p1 [sflag:s12], $0x2000  }
0x1f: {  	s11 =	smov.u32 s9;
	p0 =	por !p0, !p0;
	[sflag:s12] =	ssyncset.done @!p1 $0x0  }
0x20: {  	s10 =	smov.u32 s14;
	s9 =	smov.u32 s13;
	[sflag:s12] =	ssyncadd.s32 @!p1 $0xFFFFE000  }
.LBB1_1:
0x21: {  	p1 =	sge.u32 s10, s6  }
0x22: {  	s12 =	sand.u32 @!p1 $0x1FFFFFF, s9  }
0x23: {  	s13 =	smulhi.u32 @!p1 $0x147AE15, s12;
	_ =	sdelay $0x1  }
0x24: {  	s13 =	sshrl.u32 @!p1 s13, $0xA  }
0x25: {  	s13 =	smul.u32 @!p1 $0x32000, s13;
	_ =	sdelay $0x1  }
0x26: {  	s31 =	sadd.s32 $0xFFFFFFFF, s10;
	s14 =	sxor.u32 @!p1 $0xFFFFFFFF, s10;
	s12 =	ssub.s32 @!p1 s12, s13  }
0x27: {  	s15 =	simm.s32 @!p1 $0x80;
	s14 =	sshll.u32 @!p1 s14, $0xD;
	s12 =	sshll.u32 @!p1 s12, $0x4  }
0x28: {  	s13 =	sand.u32 @!p1 $0x2000, s14;
	s14 =	simm.s32 @!p1 $0x40;
	s12 =	sadd.s32 @!p1 s4, s12  }
0x29: {  	[tilespmem:s13], [sflag:$0x1] =	stream.strided.gather @!p1 [hbm4b:s12+s14], $0x2000, s15, s14, $0x38;
	[tilespmem:$0x8080] =	vst v63  }
0x2a: {  	p1 =	sge.u32 s31, s6  }
.Ltmp2:
0x2b: {  	_ = 	snop;
	(pc) =	sbr.rel @p1 .LBB1_5-.Ltmp2, $1  }
0x2c: {  	_ =	sdelay $0x3  }
0x2d: {  	s12 =	simm.s32 $0x1  }
0x2e: {  	_ =	swait.ge [sflag:s5], $0x2000;
	s12 =	simm.s32 @!p0 $0x0  }
0x2f: {  	[sflag:s5] =	ssyncset.done $0x0;
	s13 =	sshll.u32 s12, $0xD  }
0x30: {  	[sflag:s5] =	ssyncadd.s32 $0xFFFFE000;
	s16 =	sor.u32 $0x20, s13  }
0x31: {  	s12 =	smul.u32 $0x8100, s12;
	v3 =	vld [tilespmem:s16+$0x10]  }
0x32: {  	s30 =	sand.u32 $0x1, s10;
	v2 =	vld [tilespmem:s16+$0xFFFFFFF0]  }
0x33: {  	s13 =	smul.u32 $0x8100, s30;
	s12 =	sshrl.u32 s12, $0x2;
	v0 =	vld [tilespmem:s16+$0x0]  }
0x34: {  	v1 =	vld [tilespmem:s16+$0xFFFFFFE0];
	s14 =	sor.u32 $0x4000, s12  }
0x35: {  	s31 =	sshrl.u32 s13, $0x2;
	s13 =	sadd.s32 $0x0, s14  }
0x36: {  	s15 =	simm.s32 $0x4;
	s16 =	sadd.s32 $0x40, s16;
	s12 =	sor.u32 $0x4000, s31;
	[tilespmem:s13+$0x1830 ss:$0x81] =	vst.msk $0xffff, v3  }
.LBB1_3:
0x37: {  	v3 =	vld [tilespmem:s16+$0x10];
	p1 =	sne.s32 s15, $0x1FC;
	[tilespmem:s13+$0x810 ss:$0x81] =	vst.msk $0xffff, v2;
	s17 =	smov.u32 s15;
	s15 =	sadd.s32 $0x4, s15  }
.Ltmp3:
0x38: {  	v2 =	vld [tilespmem:s16+$0xFFFFFFF0];
	[tilespmem:s13+$0x1020 ss:$0x81] =	vst.msk $0xffff, v0;
	(pc) =	sbr.rel @p1 .LBB1_3-.Ltmp3, $4  }
0x39: {  	v0 =	vld [tilespmem:s16+$0x0];
	[tilespmem:s13+$0x0 ss:$0x81] =	vst.msk $0xffff, v1  }
0x3a: {  	s13 =	sshra.s32 s17, $0x2;
	v1 =	vld [tilespmem:s16+$0xFFFFFFE0]  }
0x3b: {  	s13 =	sadd.s32 s13, s14  }
0x3c: {  	s16 =	sadd.s32 $0x40, s16;
	[tilespmem:s13+$0x1830 ss:$0x81] =	vst.msk $0xffff, v3  }
.Ltmp4:
0x3d: {  	_ = 	snop;
	(pc) =	sbr.rel .LBB1_4-.Ltmp4, $1  }
0x3e: {  	_ =	sdelay $0x3  }
.LBB1_6:
0x3f: {  	_ =	sfence.sel $0x180000  }
0x40: {  	s2 =	simm.s32 $0x1;
	[bflag:$0x0] =	sbarrier.arrive $0xFFFF  }
0x41: {  	s31 =	simm.s32 $0x2;
	[sflag:s2] =	ssyncpa.u1 $0x1  }
0x42: {  	[sflag:s31] =	ssyncpa.u1 $0x1  }
0x43: {  	p0 =	sne.s32 s0, $0x0;
	_ =	strace $0x9000004A  }
0x44: {  	s0 =	sadd.s32 @!p0 $0x100000, s1;
	[bflag:$0x2] =	sbarrier.arrive $0xFFFF  }
0x45: {  	[sflag:s0] =	ssyncadd.tile.s32 @!p0 $0x1;
	_ =	shalt  }
.Lfunc_end1:
_tile_overlayer_lowered:
.L_overlay_start_2:
0x46: {  	(tag) =	ssettag $0x2  }
0x47: {  	s0 =	rddreg [dreg:$0x0];
	s2 =	stileid.u32  }
0x48: {  	s1 =	rddreg [dreg:$0x1];
	p0 =	sne.s32 s2, $0x0  }
0x49: {  	s3 =	rddreg [dreg:$0x2];
	[bflag:$0x3] =	sbarrier.arrive $0xFFFF;
	s2 =	simm.s32 @!p0 $0x1C01  }
0x4a: {  	[timem:s3], [sflag:s2] =	dma.local @!p0 [hbm:s0], s1  }
0x4b: {  	s0 =	simm.s32 @!p0 $0x1  }
0x4c: {  	_ =	swait.ge @!p0 [sflag:s0], s1  }
0x4d: {  	s1 =	ssub.s32 @!p0 $0x0, s1;
	[sflag:s0] =	ssyncset.done @!p0 $0x0  }
0x4e: {  	[sflag:s0] =	ssyncadd.s32 @!p0 s1  }
0x4f: {  	[bflag:$0x3] =	sbarrier.arrive $0xFFFF  }
0x50: {  	_ =	shalt  }

</sc_bundles>
